<compile_context>
chip_gen: v7x
topology: tpu7x:2x2x1
jax: 0.10.2.dev20260603
libtpu: 0.0.44.dev20260713+nightly
codegen_flags: <defaults>
</compile_context>

<pallas_src>
import functools

import jax
import jax.numpy as jnp
from jax import lax
from jax.experimental import pallas as pl
from jax.experimental.pallas import tpu as pltpu
from jax.experimental.pallas import tpu_sc as plsc

_NC = 2
_NS = 16
_NW = _NC * _NS
_NL = 16

_SCHUNK = 32


def _tc_body(x_ref, pos_ref, o_ref):
    o_ref[...] = x_ref[...] + pos_ref[...]


def _tc_part(x, pos_table):
    B, S, D = x.shape
    return pl.pallas_call(
        _tc_body,
        grid=(B,),
        in_specs=[
            pl.BlockSpec((1, S, D), lambda b: (b, 0, 0)),
            pl.BlockSpec((S, D), lambda b: (0, 0)),
        ],
        out_specs=pl.BlockSpec((1, S, D), lambda b: (b, 0, 0)),
        out_shape=jax.ShapeDtypeStruct((B, S, D), x.dtype),
    )(x, pos_table)


def _sc_body(x_hbm, pos_hbm, out_hbm, pos_v, x_v):
    B, S, D = x_hbm.shape
    wid = lax.axis_index("s") * _NC + lax.axis_index("c")
    chunks_per_w = (B * S // _SCHUNK) // _NW

    def s_body(i, carry):
        row0 = (wid * chunks_per_w + i) * _SCHUNK
        b = row0 // S
        s0 = row0 % S
        pltpu.sync_copy(pos_hbm.at[pl.ds(s0, _SCHUNK)], pos_v)
        pltpu.sync_copy(x_hbm.at[b, pl.ds(s0, _SCHUNK)], x_v)

        def r_body(r, carry):
            for c in range(D // _NL):
                sl = pl.ds(c * _NL, _NL)
                plsc.addupdate(x_v.at[r, sl], pos_v[r, sl])
            return carry

        lax.fori_loop(0, _SCHUNK, r_body, 0, unroll=False)
        pltpu.sync_copy(x_v, out_hbm.at[b, pl.ds(s0, _SCHUNK)])
        return carry

    lax.fori_loop(0, chunks_per_w, s_body, 0, unroll=False)


def _sc_part(x, pos_table):
    B, S, D = x.shape
    mesh = plsc.VectorSubcoreMesh(core_axis_name="c", subcore_axis_name="s")
    k = functools.partial(
        pl.kernel,
        mesh=mesh,
        out_type=jax.ShapeDtypeStruct((B, S, D), x.dtype),
        scratch_types=[
            pltpu.VMEM((_SCHUNK, D), jnp.float32),
            pltpu.VMEM((_SCHUNK, D), jnp.float32),
        ],
    )(_sc_body)
    return k(x, pos_table)


def kernel(x, pos_table):
    B, S, D = x.shape
    out_tc = _tc_part(x[: B - 1], pos_table)
    out_sc = _sc_part(x[B - 1 :], pos_table)
    return jnp.concatenate([out_tc, out_sc], axis=0)

# --- scband reference (transcript-rebuilt; emitter-appended) ---
"""Pipeline reference for scband-learned-positional-encoding-76398878261886 (READ-ONLY COPY).

The authoritative reference and input builder live on the scoring server;
editing this copy changes nothing except your own understanding.
"""

import jax, jax.numpy as jnp
import numpy as np


def setup_inputs(seed: int = 0) -> dict:
    key = jax.random.key(seed)
    k1, k2 = jax.random.split(key)
    x = jax.random.normal(k1, (4, 2048, 1024), dtype=jnp.float32)
    # learned positional embedding table, sized per init_kwargs (max_seq_len=2048, latent_dim=1024)
    pos_table = jax.random.normal(k2, (2048, 1024), dtype=jnp.float32) * 0.02
    return {"x": x, "pos_table": pos_table}


def reference(x, pos_table):
    B, S, D = x.shape
    positions = jnp.broadcast_to(jnp.arange(S)[None, :], (B, S))  # [B, S]
    embed = jnp.take(pos_table, positions, axis=0)  # [B, S, D] gather from embedding table
    return x + embed

if __name__ == "__main__":
    import jax
    _d = setup_inputs()
    print(jax.jit(kernel)(*tuple(_d.values())))

</pallas_src>

<mosaic_0001>
#map = affine_map<(d0, d1) -> (0, 0, 0)>
#map1 = affine_map<(d0, d1) -> (0, 0)>
module attributes {stable_mosaic.version = 14 : i64} {
  func.func @_sc_body(%arg0: i32, %arg1: i32, %arg2: memref<1x2048x1024xf32, #tpu.memory_space<hbm>>, %arg3: memref<2048x1024xf32, #tpu.memory_space<hbm>>, %arg4: memref<1x2048x1024xf32, #tpu.memory_space<hbm>>, %arg5: memref<32x1024xf32, #tpu.memory_space<vmem>>, %arg6: memref<32x1024xf32, #tpu.memory_space<vmem>>) attributes {dimension_semantics = [#tpu.dimension_semantics<core_parallel>, #tpu.dimension_semantics<subcore_parallel>], iteration_bounds = array<i64: 2, 16>, scalar_prefetch = 0 : i64, scratch_operands = 2 : i64, tpu.core_type = #tpu.core_type<sc_vector_subcore>, window_params = [{transform_indices = #map}, {transform_indices = #map1}, {transform_indices = #map}]} {
    %mul3A = arith.constant 2 : i32
    %mul3A_0 = arith.muli %arg1, %mul3A : i32
    %add3A = arith.addi %mul3A_0, %arg0 : i32
    %scan3A = arith.constant 0 : i32
    %scan3A_1 = arith.constant 0 : i32
    %scan3A_2 = arith.constant 2 : i32
    %scan3A_3 = arith.addi %scan3A_1, %scan3A_2 : i32
    %scan3A_4 = arith.constant 1 : i32
    scf.for %scan3A_6 = %scan3A_1 to %scan3A_3 step %scan3A_4  : i32 {
      %mul3A_7 = arith.constant 2 : i32
      %mul3A_8 = arith.muli %add3A, %mul3A_7 : i32
      %add3A_9 = arith.addi %mul3A_8, %scan3A_6 : i32
      %mul3A_10 = arith.constant 32 : i32
      %mul3A_11 = arith.muli %add3A_9, %mul3A_10 : i32
      %jit3A = arith.constant 2048 : i32
      %div3A = arith.divsi %mul3A_11, %jit3A : i32
      %sign3A = arith.constant 0 : i32
      %sign3A_12 = arith.cmpi sgt, %mul3A_11, %sign3A : i32
      %sign3A_13 = arith.extui %sign3A_12 : i1 to i32
      %sign3A_14 = arith.constant 0 : i32
      %sign3A_15 = arith.cmpi slt, %mul3A_11, %sign3A_14 : i32
      %sign3A_16 = arith.extui %sign3A_15 : i1 to i32
      %sign3A_17 = arith.subi %sign3A_13, %sign3A_16 : i32
      %sign3A_18 = arith.constant 0 : i32
      %sign3A_19 = arith.cmpi sgt, %jit3A, %sign3A_18 : i32
      %sign3A_20 = arith.extui %sign3A_19 : i1 to i32
      %sign3A_21 = arith.constant 0 : i32
      %sign3A_22 = arith.cmpi slt, %jit3A, %sign3A_21 : i32
      %sign3A_23 = arith.extui %sign3A_22 : i1 to i32
      %sign3A_24 = arith.subi %sign3A_20, %sign3A_23 : i32
      %ne3A = arith.cmpi ne, %sign3A_17, %sign3A_24 : i32
      %rem3A = arith.remsi %mul3A_11, %jit3A : i32
      %ne3A_25 = arith.constant 0 : i32
      %ne3A_26 = arith.cmpi ne, %rem3A, %ne3A_25 : i32
      %and3A = arith.andi %ne3A, %ne3A_26 : i1
      %sub3A = arith.constant 1 : i32
      %sub3A_27 = arith.subi %div3A, %sub3A : i32
      %select_n3A = arith.select %and3A, %sub3A_27, %div3A : i32
      %jit3A_28 = arith.constant 2048 : i32
      %eq3A = arith.constant 0 : i32
      %eq3A_29 = arith.cmpi eq, %jit3A_28, %eq3A : i32
      %jit3A_30 = arith.constant 1 : i32
      %select_n3A_31 = arith.select %eq3A_29, %jit3A_30, %jit3A_28 : i32
      %rem3A_32 = arith.remsi %mul3A_11, %select_n3A_31 : i32
      %ne3A_33 = arith.constant 0 : i32
      %ne3A_34 = arith.cmpi ne, %rem3A_32, %ne3A_33 : i32
      %lt3A = arith.constant 0 : i32
      %lt3A_35 = arith.cmpi slt, %rem3A_32, %lt3A : i32
      %lt3A_36 = arith.constant 0 : i32
      %lt3A_37 = arith.cmpi slt, %select_n3A_31, %lt3A_36 : i32
      %ne3A_38 = arith.xori %lt3A_35, %lt3A_37 : i1
      %and3A_39 = arith.andi %ne3A_38, %ne3A_34 : i1
      %add3A_40 = arith.addi %rem3A_32, %select_n3A_31 : i32
      %select_n3A_41 = arith.select %and3A_39, %add3A_40, %rem3A_32 : i32
      "tpu.region"() ({
        %run_scoped3A = tpu.sem_alloc : memref<!tpu.dma_semaphore, #tpu.memory_space<semaphore_mem>>
        %dma_start3A = arith.constant 0 : i32
        %dma_start3A_48 = tpu.memref_slice %arg3[%select_n3A_41, %dma_start3A] : memref<2048x1024xf32, #tpu.memory_space<hbm>> -> memref<32x1024xf32, #tpu.memory_space<hbm>>
        %dma_start3A_49 = arith.constant 0 : i32
        %dma_start3A_50 = tpu.memref_slice %arg3[%select_n3A_41, %dma_start3A_49] : memref<2048x1024xf32, #tpu.memory_space<hbm>> -> memref<32x1024xf32, #tpu.memory_space<hbm>>
        tpu.enqueue_dma source(%dma_start3A_50 : memref<32x1024xf32, #tpu.memory_space<hbm>>) target(%arg5 : memref<32x1024xf32, #tpu.memory_space<vmem>>) target_semaphore(%run_scoped3A : memref<!tpu.dma_semaphore, #tpu.memory_space<semaphore_mem>>)
        %dma_wait3A = arith.constant 0 : i32
        %dma_wait3A_51 = tpu.memref_slice %arg3[%select_n3A_41, %dma_wait3A] : memref<2048x1024xf32, #tpu.memory_space<hbm>> -> memref<32x1024xf32, #tpu.memory_space<hbm>>
        %dma_wait3A_52 = arith.constant 0 : i32
        %dma_wait3A_53 = tpu.memref_slice %arg3[%select_n3A_41, %dma_wait3A_52] : memref<2048x1024xf32, #tpu.memory_space<hbm>> -> memref<32x1024xf32, #tpu.memory_space<hbm>>
        tpu.wait_dma2 semaphore(%run_scoped3A : memref<!tpu.dma_semaphore, #tpu.memory_space<semaphore_mem>>) src(%dma_wait3A_53 : memref<32x1024xf32, #tpu.memory_space<hbm>>) dst(%arg5 : memref<32x1024xf32, #tpu.memory_space<vmem>>)
        tpu.yield
      }) : () -> ()
      "tpu.region"() ({
        %run_scoped3A = tpu.sem_alloc : memref<!tpu.dma_semaphore, #tpu.memory_space<semaphore_mem>>
        %dma_start3A = arith.constant 0 : i32
        %dma_start3A_48 = tpu.memref_slice %arg2[%select_n3A, %select_n3A_41, %dma_start3A] : memref<1x2048x1024xf32, #tpu.memory_space<hbm>> -> memref<1x32x1024xf32, #tpu.memory_space<hbm>>
        %dma_start3A_49 = tpu.memref_squeeze %dma_start3A_48 : memref<1x32x1024xf32, #tpu.memory_space<hbm>> -> memref<32x1024xf32, #tpu.memory_space<hbm>>
        %dma_start3A_50 = arith.constant 0 : i32
        %dma_start3A_51 = tpu.memref_slice %arg2[%select_n3A, %select_n3A_41, %dma_start3A_50] : memref<1x2048x1024xf32, #tpu.memory_space<hbm>> -> memref<1x32x1024xf32, #tpu.memory_space<hbm>>
        %dma_start3A_52 = tpu.memref_squeeze %dma_start3A_51 : memref<1x32x1024xf32, #tpu.memory_space<hbm>> -> memref<32x1024xf32, #tpu.memory_space<hbm>>
        tpu.enqueue_dma source(%dma_start3A_52 : memref<32x1024xf32, #tpu.memory_space<hbm>>) target(%arg6 : memref<32x1024xf32, #tpu.memory_space<vmem>>) target_semaphore(%run_scoped3A : memref<!tpu.dma_semaphore, #tpu.memory_space<semaphore_mem>>)
        %dma_wait3A = arith.constant 0 : i32
        %dma_wait3A_53 = tpu.memref_slice %arg2[%select_n3A, %select_n3A_41, %dma_wait3A] : memref<1x2048x1024xf32, #tpu.memory_space<hbm>> -> memref<1x32x1024xf32, #tpu.memory_space<hbm>>
        %dma_wait3A_54 = tpu.memref_squeeze %dma_wait3A_53 : memref<1x32x1024xf32, #tpu.memory_space<hbm>> -> memref<32x1024xf32, #tpu.memory_space<hbm>>
        %dma_wait3A_55 = arith.constant 0 : i32
        %dma_wait3A_56 = tpu.memref_slice %arg2[%select_n3A, %select_n3A_41, %dma_wait3A_55] : memref<1x2048x1024xf32, #tpu.memory_space<hbm>> -> memref<1x32x1024xf32, #tpu.memory_space<hbm>>
        %dma_wait3A_57 = tpu.memref_squeeze %dma_wait3A_56 : memref<1x32x1024xf32, #tpu.memory_space<hbm>> -> memref<32x1024xf32, #tpu.memory_space<hbm>>
        tpu.wait_dma2 semaphore(%run_scoped3A : memref<!tpu.dma_semaphore, #tpu.memory_space<semaphore_mem>>) src(%dma_wait3A_57 : memref<32x1024xf32, #tpu.memory_space<hbm>>) dst(%arg6 : memref<32x1024xf32, #tpu.memory_space<vmem>>)
        tpu.yield
      }) : () -> ()
      %scan3A_42 = arith.constant 0 : i32
      %scan3A_43 = arith.constant 0 : i32
      %scan3A_44 = arith.constant 32 : i32
      %scan3A_45 = arith.addi %scan3A_43, %scan3A_44 : i32
      %scan3A_46 = arith.constant 1 : i32
      scf.for %scan3A_48 = %scan3A_43 to %scan3A_45 step %scan3A_46  : i32 {
        %get3A = arith.index_cast %scan3A_48 : i32 to index
        %get3A_49 = arith.constant 0 : index
        %get3A_50 = tpu.vector_load %arg5[%get3A, %get3A_49] {strides = array<i32>} : memref<32x1024xf32, #tpu.memory_space<vmem>>, vector<1x16xf32>,
        %get3A_51 = vector.shape_cast %get3A_50 : vector<1x16xf32> to vector<16xf32>
        %swap3A = arith.index_cast %scan3A_48 : i32 to index
        %swap3A_52 = arith.constant 0 : index
        %swap3A_53 = tpu.vector_load %arg6[%swap3A, %swap3A_52] {strides = array<i32>} : memref<32x1024xf32, #tpu.memory_space<vmem>>, vector<1x16xf32>,
        %swap3A_54 = vector.shape_cast %swap3A_53 : vector<1x16xf32> to vector<16xf32>
        %swap3A_55 = vector.shape_cast %get3A_51 : vector<16xf32> to vector<1x16xf32>
        tpu.vector_store %arg6[%swap3A, %swap3A_52], %swap3A_55 {add = true, strides = array<i32>} : memref<32x1024xf32, #tpu.memory_space<vmem>>, vector<1x16xf32>,
        %get3A_56 = arith.index_cast %scan3A_48 : i32 to index
        %get3A_57 = arith.constant 16 : index
        %get3A_58 = tpu.vector_load %arg5[%get3A_56, %get3A_57] {strides = array<i32>} : memref<32x1024xf32, #tpu.memory_space<vmem>>, vector<1x16xf32>,
        %get3A_59 = vector.shape_cast %get3A_58 : vector<1x16xf32> to vector<16xf32>
        %swap3A_60 = arith.index_cast %scan3A_48 : i32 to index
        %swap3A_61 = arith.constant 16 : index
        %swap3A_62 = tpu.vector_load %arg6[%swap3A_60, %swap3A_61] {strides = array<i32>} : memref<32x1024xf32, #tpu.memory_space<vmem>>, vector<1x16xf32>,
        %swap3A_63 = vector.shape_cast %swap3A_62 : vector<1x16xf32> to vector<16xf32>
        %swap3A_64 = vector.shape_cast %get3A_59 : vector<16xf32> to vector<1x16xf32>
        tpu.vector_store %arg6[%swap3A_60, %swap3A_61], %swap3A_64 {add = true, strides = array<i32>} : memref<32x1024xf32, #tpu.memory_space<vmem>>, vector<1x16xf32>,
        %get3A_65 = arith.index_cast %scan3A_48 : i32 to index
        %get3A_66 = arith.constant 32 : index
        %get3A_67 = tpu.vector_load %arg5[%get3A_65, %get3A_66] {strides = array<i32>} : memref<32x1024xf32, #tpu.memory_space<vmem>>, vector<1x16xf32>,
        %get3A_68 = vector.shape_cast %get3A_67 : vector<1x16xf32> to vector<16xf32>
        %swap3A_69 = arith.index_cast %scan3A_48 : i32 to index
        %swap3A_70 = arith.constant 32 : index
        %swap3A_71 = tpu.vector_load %arg6[%swap3A_69, %swap3A_70] {strides = array<i32>} : memref<32x1024xf32, #tpu.memory_space<vmem>>, vector<1x16xf32>,
        %swap3A_72 = vector.shape_cast %swap3A_71 : vector<1x16xf32> to vector<16xf32>
        %swap3A_73 = vector.shape_cast %get3A_68 : vector<16xf32> to vector<1x16xf32>
        tpu.vector_store %arg6[%swap3A_69, %swap3A_70], %swap3A_73 {add = true, strides = array<i32>} : memref<32x1024xf32, #tpu.memory_space<vmem>>, vector<1x16xf32>,
        %get3A_74 = arith.index_cast %scan3A_48 : i32 to index
        %get3A_75 = arith.constant 48 : index
        %get3A_76 = tpu.vector_load %arg5[%get3A_74, %get3A_75] {strides = array<i32>} : memref<32x1024xf32, #tpu.memory_space<vmem>>, vector<1x16xf32>,
        %get3A_77 = vector.shape_cast %get3A_76 : vector<1x16xf32> to vector<16xf32>
        %swap3A_78 = arith.index_cast %scan3A_48 : i32 to index
        %swap3A_79 = arith.constant 48 : index
        %swap3A_80 = tpu.vector_load %arg6[%swap3A_78, %swap3A_79] {strides = array<i32>} : memref<32x1024xf32, #tpu.memory_space<vmem>>, vector<1x16xf32>,
        %swap3A_81 = vector.shape_cast %swap3A_80 : vector<1x16xf32> to vector<16xf32>
        %swap3A_82 = vector.shape_cast %get3A_77 : vector<16xf32> to vector<1x16xf32>
        tpu.vector_store %arg6[%swap3A_78, %swap3A_79], %swap3A_82 {add = true, strides = array<i32>} : memref<32x1024xf32, #tpu.memory_space<vmem>>, vector<1x16xf32>,
        %get3A_83 = arith.index_cast %scan3A_48 : i32 to index
        %get3A_84 = arith.constant 64 : index
        %get3A_85 = tpu.vector_load %arg5[%get3A_83, %get3A_84] {strides = array<i32>} : memref<32x1024xf32, #tpu.memory_space<vmem>>, vector<1x16xf32>,
        %get3A_86 = vector.shape_cast %get3A_85 : vector<1x16xf32> to vector<16xf32>
        %swap3A_87 = arith.index_cast %scan3A_48 : i32 to index
        %swap3A_88 = arith.constant 64 : index
        %swap3A_89 = tpu.vector_load %arg6[%swap3A_87, %swap3A_88] {strides = array<i32>} : memref<32x1024xf32, #tpu.memory_space<vmem>>, vector<1x16xf32>,
        %swap3A_90 = vector.shape_cast %swap3A_89 : vector<1x16xf32> to vector<16xf32>
        %swap3A_91 = vector.shape_cast %get3A_86 : vector<16xf32> to vector<1x16xf32>
        tpu.vector_store %arg6[%swap3A_87, %swap3A_88], %swap3A_91 {add = true, strides = array<i32>} : memref<32x1024xf32, #tpu.memory_space<vmem>>, vector<1x16xf32>,
        %get3A_92 = arith.index_cast %scan3A_48 : i32 to index
        %get3A_93 = arith.constant 80 : index
        %get3A_94 = tpu.vector_load %arg5[%get3A_92, %get3A_93] {strides = array<i32>} : memref<32x1024xf32, #tpu.memory_space<vmem>>, vector<1x16xf32>,
        %get3A_95 = vector.shape_cast %get3A_94 : vector<1x16xf32> to vector<16xf32>
        %swap3A_96 = arith.index_cast %scan3A_48 : i32 to index
        %swap3A_97 = arith.constant 80 : index
        %swap3A_98 = tpu.vector_load %arg6[%swap3A_96, %swap3A_97] {strides = array<i32>} : memref<32x1024xf32, #tpu.memory_space<vmem>>, vector<1x16xf32>,
        %swap3A_99 = vector.shape_cast %swap3A_98 : vector<1x16xf32> to vector<16xf32>
        %swap3A_100 = vector.shape_cast %get3A_95 : vector<16xf32> to vector<1x16xf32>
        tpu.vector_store %arg6[%swap3A_96, %swap3A_97], %swap3A_100 {add = true, strides = array<i32>} : memref<32x1024xf32, #tpu.memory_space<vmem>>, vector<1x16xf32>,
        %get3A_101 = arith.index_cast %scan3A_48 : i32 to index
        %get3A_102 = arith.constant 96 : index
        %get3A_103 = tpu.vector_load %arg5[%get3A_101, %get3A_102] {strides = array<i32>} : memref<32x1024xf32, #tpu.memory_space<vmem>>, vector<1x16xf32>,
        %get3A_104 = vector.shape_cast %get3A_103 : vector<1x16xf32> to vector<16xf32>
        %swap3A_105 = arith.index_cast %scan3A_48 : i32 to index
        %swap3A_106 = arith.constant 96 : index
        %swap3A_107 = tpu.vector_load %arg6[%swap3A_105, %swap3A_106] {strides = array<i32>} : memref<32x1024xf32, #tpu.memory_space<vmem>>, vector<1x16xf32>,
        %swap3A_108 = vector.shape_cast %swap3A_107 : vector<1x16xf32> to vector<16xf32>
        %swap3A_109 = vector.shape_cast %get3A_104 : vector<16xf32> to vector<1x16xf32>
        tpu.vector_store %arg6[%swap3A_105, %swap3A_106], %swap3A_109 {add = true, strides = array<i32>} : memref<32x1024xf32, #tpu.memory_space<vmem>>, vector<1x16xf32>,
        %get3A_110 = arith.index_cast %scan3A_48 : i32 to index
        %get3A_111 = arith.constant 112 : index
        %get3A_112 = tpu.vector_load %arg5[%get3A_110, %get3A_111] {strides = array<i32>} : memref<32x1024xf32, #tpu.memory_space<vmem>>, vector<1x16xf32>,
        %get3A_113 = vector.shape_cast %get3A_112 : vector<1x16xf32> to vector<16xf32>
        %swap3A_114 = arith.index_cast %scan3A_48 : i32 to index
        %swap3A_115 = arith.constant 112 : index
        %swap3A_116 = tpu.vector_load %arg6[%swap3A_114, %swap3A_115] {strides = array<i32>} : memref<32x1024xf32, #tpu.memory_space<vmem>>, vector<1x16xf32>,
        %swap3A_117 = vector.shape_cast %swap3A_116 : vector<1x16xf32> to vector<16xf32>
        %swap3A_118 = vector.shape_cast %get3A_113 : vector<16xf32> to vector<1x16xf32>
        tpu.vector_store %arg6[%swap3A_114, %swap3A_115], %swap3A_118 {add = true, strides = array<i32>} : memref<32x1024xf32, #tpu.memory_space<vmem>>, vector<1x16xf32>,
        %get3A_119 = arith.index_cast %scan3A_48 : i32 to index
        %get3A_120 = arith.constant 128 : index
        %get3A_121 = tpu.vector_load %arg5[%get3A_119, %get3A_120] {strides = array<i32>} : memref<32x1024xf32, #tpu.memory_space<vmem>>, vector<1x16xf32>,
        %get3A_122 = vector.shape_cast %get3A_121 : vector<1x16xf32> to vector<16xf32>
        %swap3A_123 = arith.index_cast %scan3A_48 : i32 to index
        %swap3A_124 = arith.constant 128 : index
        %swap3A_125 = tpu.vector_load %arg6[%swap3A_123, %swap3A_124] {strides = array<i32>} : memref<32x1024xf32, #tpu.memory_space<vmem>>, vector<1x16xf32>,
        %swap3A_126 = vector.shape_cast %swap3A_125 : vector<1x16xf32> to vector<16xf32>
        %swap3A_127 = vector.shape_cast %get3A_122 : vector<16xf32> to vector<1x16xf32>
        tpu.vector_store %arg6[%swap3A_123, %swap3A_124], %swap3A_127 {add = true, strides = array<i32>} : memref<32x1024xf32, #tpu.memory_space<vmem>>, vector<1x16xf32>,
        %get3A_128 = arith.index_cast %scan3A_48 : i32 to index
        %get3A_129 = arith.constant 144 : index
        %get3A_130 = tpu.vector_load %arg5[%get3A_128, %get3A_129] {strides = array<i32>} : memref<32x1024xf32, #tpu.memory_space<vmem>>, vector<1x16xf32>,
        %get3A_131 = vector.shape_cast %get3A_130 : vector<1x16xf32> to vector<16xf32>
        %swap3A_132 = arith.index_cast %scan3A_48 : i32 to index
        %swap3A_133 = arith.constant 144 : index
        %swap3A_134 = tpu.vector_load %arg6[%swap3A_132, %swap3A_133] {strides = array<i32>} : memref<32x1024xf32, #tpu.memory_space<vmem>>, vector<1x16xf32>,
        %swap3A_135 = vector.shape_cast %swap3A_134 : vector<1x16xf32> to vector<16xf32>
        %swap3A_136 = vector.shape_cast %get3A_131 : vector<16xf32> to vector<1x16xf32>
        tpu.vector_store %arg6[%swap3A_132, %swap3A_133], %swap3A_136 {add = true, strides = array<i32>} : memref<32x1024xf32, #tpu.memory_space<vmem>>, vector<1x16xf32>,
        %get3A_137 = arith.index_cast %scan3A_48 : i32 to index
        %get3A_138 = arith.constant 160 : index
        %get3A_139 = tpu.vector_load %arg5[%get3A_137, %get3A_138] {strides = array<i32>} : memref<32x1024xf32, #tpu.memory_space<vmem>>, vector<1x16xf32>,
        %get3A_140 = vector.shape_cast %get3A_139 : vector<1x16xf32> to vector<16xf32>
        %swap3A_141 = arith.index_cast %scan3A_48 : i32 to index
        %swap3A_142 = arith.constant 160 : index
        %swap3A_143 = tpu.vector_load %arg6[%swap3A_141, %swap3A_142] {strides = array<i32>} : memref<32x1024xf32, #tpu.memory_space<vmem>>, vector<1x16xf32>,
        %swap3A_144 = vector.shape_cast %swap3A_143 : vector<1x16xf32> to vector<16xf32>
        %swap3A_145 = vector.shape_cast %get3A_140 : vector<16xf32> to vector<1x16xf32>
        tpu.vector_store %arg6[%swap3A_141, %swap3A_142], %swap3A_145 {add = true, strides = array<i32>} : memref<32x1024xf32, #tpu.memory_space<vmem>>, vector<1x16xf32>,
        %get3A_146 = arith.index_cast %scan3A_48 : i32 to index
        %get3A_147 = arith.constant 176 : index
        %get3A_148 = tpu.vector_load %arg5[%get3A_146, %get3A_147] {strides = array<i32>} : memref<32x1024xf32, #tpu.memory_space<vmem>>, vector<1x16xf32>,
        %get3A_149 = vector.shape_cast %get3A_148 : vector<1x16xf32> to vector<16xf32>
        %swap3A_150 = arith.index_cast %scan3A_48 : i32 to index
        %swap3A_151 = arith.constant 176 : index
        %swap3A_152 = tpu.vector_load %arg6[%swap3A_150, %swap3A_151] {strides = array<i32>} : memref<32x1024xf32, #tpu.memory_space<vmem>>, vector<1x16xf32>,
        %swap3A_153 = vector.shape_cast %swap3A_152 : vector<1x16xf32> to vector<16xf32>
        %swap3A_154 = vector.shape_cast %get3A_149 : vector<16xf32> to vector<1x16xf32>
        tpu.vector_store %arg6[%swap3A_150, %swap3A_151], %swap3A_154 {add = true, strides = array<i32>} : memref<32x1024xf32, #tpu.memory_space<vmem>>, vector<1x16xf32>,
        %get3A_155 = arith.index_cast %scan3A_48 : i32 to index
        %get3A_156 = arith.constant 192 : index
        %get3A_157 = tpu.vector_load %arg5[%get3A_155, %get3A_156] {strides = array<i32>} : memref<32x1024xf32, #tpu.memory_space<vmem>>, vector<1x16xf32>,
        %get3A_158 = vector.shape_cast %get3A_157 : vector<1x16xf32> to vector<16xf32>
        %swap3A_159 = arith.index_cast %scan3A_48 : i32 to index
        %swap3A_160 = arith.constant 192 : index
        %swap3A_161 = tpu.vector_load %arg6[%swap3A_159, %swap3A_160] {strides = array<i32>} : memref<32x1024xf32, #tpu.memory_space<vmem>>, vector<1x16xf32>,
        %swap3A_162 = vector.shape_cast %swap3A_161 : vector<1x16xf32> to vector<16xf32>
        %swap3A_163 = vector.shape_cast %get3A_158 : vector<16xf32> to vector<1x16xf32>
        tpu.vector_store %arg6[%swap3A_159, %swap3A_160], %swap3A_163 {add = true, strides = array<i32>} : memref<32x1024xf32, #tpu.memory_space<vmem>>, vector<1x16xf32>,
        %get3A_164 = arith.index_cast %scan3A_48 : i32 to index
        %get3A_165 = arith.constant 208 : index
        %get3A_166 = tpu.vector_load %arg5[%get3A_164, %get3A_165] {strides = array<i32>} : memref<32x1024xf32, #tpu.memory_space<vmem>>, vector<1x16xf32>,
        %get3A_167 = vector.shape_cast %get3A_166 : vector<1x16xf32> to vector<16xf32>
        %swap3A_168 = arith.index_cast %scan3A_48 : i32 to index
        %swap3A_169 = arith.constant 208 : index
        %swap3A_170 = tpu.vector_load %arg6[%swap3A_168, %swap3A_169] {strides = array<i32>} : memref<32x1024xf32, #tpu.memory_space<vmem>>, vector<1x16xf32>,
        %swap3A_171 = vector.shape_cast %swap3A_170 : vector<1x16xf32> to vector<16xf32>
        %swap3A_172 = vector.shape_cast %get3A_167 : vector<16xf32> to vector<1x16xf32>
        tpu.vector_store %arg6[%swap3A_168, %swap3A_169], %swap3A_172 {add = true, strides = array<i32>} : memref<32x1024xf32, #tpu.memory_space<vmem>>, vector<1x16xf32>,
        %get3A_173 = arith.index_cast %scan3A_48 : i32 to index
        %get3A_174 = arith.constant 224 : index
        %get3A_175 = tpu.vector_load %arg5[%get3A_173, %get3A_174] {strides = array<i32>} : memref<32x1024xf32, #tpu.memory_space<vmem>>, vector<1x16xf32>,
        %get3A_176 = vector.shape_cast %get3A_175 : vector<1x16xf32> to vector<16xf32>
        %swap3A_177 = arith.index_cast %scan3A_48 : i32 to index
        %swap3A_178 = arith.constant 224 : index
        %swap3A_179 = tpu.vector_load %arg6[%swap3A_177, %swap3A_178] {strides = array<i32>} : memref<32x1024xf32, #tpu.memory_space<vmem>>, vector<1x16xf32>,
        %swap3A_180 = vector.shape_cast %swap3A_179 : vector<1x16xf32> to vector<16xf32>
        %swap3A_181 = vector.shape_cast %get3A_176 : vector<16xf32> to vector<1x16xf32>
        tpu.vector_store %arg6[%swap3A_177, %swap3A_178], %swap3A_181 {add = true, strides = array<i32>} : memref<32x1024xf32, #tpu.memory_space<vmem>>, vector<1x16xf32>,
        %get3A_182 = arith.index_cast %scan3A_48 : i32 to index
        %get3A_183 = arith.constant 240 : index
        %get3A_184 = tpu.vector_load %arg5[%get3A_182, %get3A_183] {strides = array<i32>} : memref<32x1024xf32, #tpu.memory_space<vmem>>, vector<1x16xf32>,
        %get3A_185 = vector.shape_cast %get3A_184 : vector<1x16xf32> to vector<16xf32>
        %swap3A_186 = arith.index_cast %scan3A_48 : i32 to index
        %swap3A_187 = arith.constant 240 : index
        %swap3A_188 = tpu.vector_load %arg6[%swap3A_186, %swap3A_187] {strides = array<i32>} : memref<32x1024xf32, #tpu.memory_space<vmem>>, vector<1x16xf32>,
        %swap3A_189 = vector.shape_cast %swap3A_188 : vector<1x16xf32> to vector<16xf32>
        %swap3A_190 = vector.shape_cast %get3A_185 : vector<16xf32> to vector<1x16xf32>
        tpu.vector_store %arg6[%swap3A_186, %swap3A_187], %swap3A_190 {add = true, strides = array<i32>} : memref<32x1024xf32, #tpu.memory_space<vmem>>, vector<1x16xf32>,
        %get3A_191 = arith.index_cast %scan3A_48 : i32 to index
        %get3A_192 = arith.constant 256 : index
        %get3A_193 = tpu.vector_load %arg5[%get3A_191, %get3A_192] {strides = array<i32>} : memref<32x1024xf32, #tpu.memory_space<vmem>>, vector<1x16xf32>,
        %get3A_194 = vector.shape_cast %get3A_193 : vector<1x16xf32> to vector<16xf32>
        %swap3A_195 = arith.index_cast %scan3A_48 : i32 to index
        %swap3A_196 = arith.constant 256 : index
        %swap3A_197 = tpu.vector_load %arg6[%swap3A_195, %swap3A_196] {strides = array<i32>} : memref<32x1024xf32, #tpu.memory_space<vmem>>, vector<1x16xf32>,
        %swap3A_198 = vector.shape_cast %swap3A_197 : vector<1x16xf32> to vector<16xf32>
        %swap3A_199 = vector.shape_cast %get3A_194 : vector<16xf32> to vector<1x16xf32>
        tpu.vector_store %arg6[%swap3A_195, %swap3A_196], %swap3A_199 {add = true, strides = array<i32>} : memref<32x1024xf32, #tpu.memory_space<vmem>>, vector<1x16xf32>,
        %get3A_200 = arith.index_cast %scan3A_48 : i32 to index
        %get3A_201 = arith.constant 272 : index
        %get3A_202 = tpu.vector_load %arg5[%get3A_200, %get3A_201] {strides = array<i32>} : memref<32x1024xf32, #tpu.memory_space<vmem>>, vector<1x16xf32>,
        %get3A_203 = vector.shape_cast %get3A_202 : vector<1x16xf32> to vector<16xf32>
        %swap3A_204 = arith.index_cast %scan3A_48 : i32 to index
        %swap3A_205 = arith.constant 272 : index
        %swap3A_206 = tpu.vector_load %arg6[%swap3A_204, %swap3A_205] {strides = array<i32>} : memref<32x1024xf32, #tpu.memory_space<vmem>>, vector<1x16xf32>,
        %swap3A_207 = vector.shape_cast %swap3A_206 : vector<1x16xf32> to vector<16xf32>
        %swap3A_208 = vector.shape_cast %get3A_203 : vector<16xf32> to vector<1x16xf32>
        tpu.vector_store %arg6[%swap3A_204, %swap3A_205], %swap3A_208 {add = true, strides = array<i32>} : memref<32x1024xf32, #tpu.memory_space<vmem>>, vector<1x16xf32>,
        %get3A_209 = arith.index_cast %scan3A_48 : i32 to index
        %get3A_210 = arith.constant 288 : index
        %get3A_211 = tpu.vector_load %arg5[%get3A_209, %get3A_210] {strides = array<i32>} : memref<32x1024xf32, #tpu.memory_space<vmem>>, vector<1x16xf32>,
        %get3A_212 = vector.shape_cast %get3A_211 : vector<1x16xf32> to vector<16xf32>
        %swap3A_213 = arith.index_cast %scan3A_48 : i32 to index
        %swap3A_214 = arith.constant 288 : index
        %swap3A_215 = tpu.vector_load %arg6[%swap3A_213, %swap3A_214] {strides = array<i32>} : memref<32x1024xf32, #tpu.memory_space<vmem>>, vector<1x16xf32>,
        %swap3A_216 = vector.shape_cast %swap3A_215 : vector<1x16xf32> to vector<16xf32>
        %swap3A_217 = vector.shape_cast %get3A_212 : vector<16xf32> to vector<1x16xf32>
        tpu.vector_store %arg6[%swap3A_213, %swap3A_214], %swap3A_217 {add = true, strides = array<i32>} : memref<32x1024xf32, #tpu.memory_space<vmem>>, vector<1x16xf32>,
        %get3A_218 = arith.index_cast %scan3A_48 : i32 to index
        %get3A_219 = arith.constant 304 : index
        %get3A_220 = tpu.vector_load %arg5[%get3A_218, %get3A_219] {strides = array<i32>} : memref<32x1024xf32, #tpu.memory_space<vmem>>, vector<1x16xf32>,
        %get3A_221 = vector.shape_cast %get3A_220 : vector<1x16xf32> to vector<16xf32>
        %swap3A_222 = arith.index_cast %scan3A_48 : i32 to index
        %swap3A_223 = arith.constant 304 : index
        %swap3A_224 = tpu.vector_load %arg6[%swap3A_222, %swap3A_223] {strides = array<i32>} : memref<32x1024xf32, #tpu.memory_space<vmem>>, vector<1x16xf32>,
        %swap3A_225 = vector.shape_cast %swap3A_224 : vector<1x16xf32> to vector<16xf32>
        %swap3A_226 = vector.shape_cast %get3A_221 : vector<16xf32> to vector<1x16xf32>
        tpu.vector_store %arg6[%swap3A_222, %swap3A_223], %swap3A_226 {add = true, strides = array<i32>} : memref<32x1024xf32, #tpu.memory_space<vmem>>, vector<1x16xf32>,
        %get3A_227 = arith.index_cast %scan3A_48 : i32 to index
        %get3A_228 = arith.constant 320 : index
        %get3A_229 = tpu.vector_load %arg5[%get3A_227, %get3A_228] {strides = array<i32>} : memref<32x1024xf32, #tpu.memory_space<vmem>>, vector<1x16xf32>,
        %get3A_230 = vector.shape_cast %get3A_229 : vector<1x16xf32> to vector<16xf32>
        %swap3A_231 = arith.index_cast %scan3A_48 : i32 to index
        %swap3A_232 = arith.constant 320 : index
        %swap3A_233 = tpu.vector_load %arg6[%swap3A_231, %swap3A_232] {strides = array<i32>} : memref<32x1024xf32, #tpu.memory_space<vmem>>, vector<1x16xf32>,
        %swap3A_234 = vector.shape_cast %swap3A_233 : vector<1x16xf32> to vector<16xf32>
        %swap3A_235 = vector.shape_cast %get3A_230 : vector<16xf32> to vector<1x16xf32>
        tpu.vector_store %arg6[%swap3A_231, %swap3A_232], %swap3A_235 {add = true, strides = array<i32>} : memref<32x1024xf32, #tpu.memory_space<vmem>>, vector<1x16xf32>,
        %get3A_236 = arith.index_cast %scan3A_48 : i32 to index
        %get3A_237 = arith.constant 336 : index
        %get3A_238 = tpu.vector_load %arg5[%get3A_236, %get3A_237] {strides = array<i32>} : memref<32x1024xf32, #tpu.memory_space<vmem>>, vector<1x16xf32>,
        %get3A_239 = vector.shape_cast %get3A_238 : vector<1x16xf32> to vector<16xf32>
        %swap3A_240 = arith.index_cast %scan3A_48 : i32 to index
        %swap3A_241 = arith.constant 336 : index
        %swap3A_242 = tpu.vector_load %arg6[%swap3A_240, %swap3A_241] {strides = array<i32>} : memref<32x1024xf32, #tpu.memory_space<vmem>>, vector<1x16xf32>,
        %swap3A_243 = vector.shape_cast %swap3A_242 : vector<1x16xf32> to vector<16xf32>
        %swap3A_244 = vector.shape_cast %get3A_239 : vector<16xf32> to vector<1x16xf32>
        tpu.vector_store %arg6[%swap3A_240, %swap3A_241], %swap3A_244 {add = true, strides = array<i32>} : memref<32x1024xf32, #tpu.memory_space<vmem>>, vector<1x16xf32>,
        %get3A_245 = arith.index_cast %scan3A_48 : i32 to index
        %get3A_246 = arith.constant 352 : index
        %get3A_247 = tpu.vector_load %arg5[%get3A_245, %get3A_246] {strides = array<i32>} : memref<32x1024xf32, #tpu.memory_space<vmem>>, vector<1x16xf32>,
        %get3A_248 = vector.shape_cast %get3A_247 : vector<1x16xf32> to vector<16xf32>
        %swap3A_249 = arith.index_cast %scan3A_48 : i32 to index
        %swap3A_250 = arith.constant 352 : index
        %swap3A_251 = tpu.vector_load %arg6[%swap3A_249, %swap3A_250] {strides = array<i32>} : memref<32x1024xf32, #tpu.memory_space<vmem>>, vector<1x16xf32>,
        %swap3A_252 = vector.shape_cast %swap3A_251 : vector<1x16xf32> to vector<16xf32>
        %swap3A_253 = vector.shape_cast %get3A_248 : vector<16xf32> to vector<1x16xf32>
        tpu.vector_store %arg6[%swap3A_249, %swap3A_250], %swap3A_253 {add = true, strides = array<i32>} : memref<32x1024xf32, #tpu.memory_space<vmem>>, vector<1x16xf32>,
        %get3A_254 = arith.index_cast %scan3A_48 : i32 to index
        %get3A_255 = arith.constant 368 : index
        %get3A_256 = tpu.vector_load %arg5[%get3A_254, %get3A_255] {strides = array<i32>} : memref<32x1024xf32, #tpu.memory_space<vmem>>, vector<1x16xf32>,
        %get3A_257 = vector.shape_cast %get3A_256 : vector<1x16xf32> to vector<16xf32>
        %swap3A_258 = arith.index_cast %scan3A_48 : i32 to index
        %swap3A_259 = arith.constant 368 : index
        %swap3A_260 = tpu.vector_load %arg6[%swap3A_258, %swap3A_259] {strides = array<i32>} : memref<32x1024xf32, #tpu.memory_space<vmem>>, vector<1x16xf32>,
        %swap3A_261 = vector.shape_cast %swap3A_260 : vector<1x16xf32> to vector<16xf32>
        %swap3A_262 = vector.shape_cast %get3A_257 : vector<16xf32> to vector<1x16xf32>
        tpu.vector_store %arg6[%swap3A_258, %swap3A_259], %swap3A_262 {add = true, strides = array<i32>} : memref<32x1024xf32, #tpu.memory_space<vmem>>, vector<1x16xf32>,
        %get3A_263 = arith.index_cast %scan3A_48 : i32 to index
        %get3A_264 = arith.constant 384 : index
        %get3A_265 = tpu.vector_load %arg5[%get3A_263, %get3A_264] {strides = array<i32>} : memref<32x1024xf32, #tpu.memory_space<vmem>>, vector<1x16xf32>,
        %get3A_266 = vector.shape_cast %get3A_265 : vector<1x16xf32> to vector<16xf32>
        %swap3A_267 = arith.index_cast %scan3A_48 : i32 to index
        %swap3A_268 = arith.constant 384 : index
        %swap3A_269 = tpu.vector_load %arg6[%swap3A_267, %swap3A_268] {strides = array<i32>} : memref<32x1024xf32, #tpu.memory_space<vmem>>, vector<1x16xf32>,
        %swap3A_270 = vector.shape_cast %swap3A_269 : vector<1x16xf32> to vector<16xf32>
        %swap3A_271 = vector.shape_cast %get3A_266 : vector<16xf32> to vector<1x16xf32>
        tpu.vector_store %arg6[%swap3A_267, %swap3A_268], %swap3A_271 {add = true, strides = array<i32>} : memref<32x1024xf32, #tpu.memory_space<vmem>>, vector<1x16xf32>,
        %get3A_272 = arith.index_cast %scan3A_48 : i32 to index
        %get3A_273 = arith.constant 400 : index
        %get3A_274 = tpu.vector_load %arg5[%get3A_272, %get3A_273] {strides = array<i32>} : memref<32x1024xf32, #tpu.memory_space<vmem>>, vector<1x16xf32>,
        %get3A_275 = vector.shape_cast %get3A_274 : vector<1x16xf32> to vector<16xf32>
        %swap3A_276 = arith.index_cast %scan3A_48 : i32 to index
        %swap3A_277 = arith.constant 400 : index
        %swap3A_278 = tpu.vector_load %arg6[%swap3A_276, %swap3A_277] {strides = array<i32>} : memref<32x1024xf32, #tpu.memory_space<vmem>>, vector<1x16xf32>,
        %swap3A_279 = vector.shape_cast %swap3A_278 : vector<1x16xf32> to vector<16xf32>
        %swap3A_280 = vector.shape_cast %get3A_275 : vector<16xf32> to vector<1x16xf32>
        tpu.vector_store %arg6[%swap3A_276, %swap3A_277], %swap3A_280 {add = true, strides = array<i32>} : memref<32x1024xf32, #tpu.memory_space<vmem>>, vector<1x16xf32>,
        %get3A_281 = arith.index_cast %scan3A_48 : i32 to index
        %get3A_282 = arith.constant 416 : index
        %get3A_283 = tpu.vector_load %arg5[%get3A_281, %get3A_282] {strides = array<i32>} : memref<32x1024xf32, #tpu.memory_space<vmem>>, vector<1x16xf32>,
        %get3A_284 = vector.shape_cast %get3A_283 : vector<1x16xf32> to vector<16xf32>
        %swap3A_285 = arith.index_cast %scan3A_48 : i32 to index
        %swap3A_286 = arith.constant 416 : index
        %swap3A_287 = tpu.vector_load %arg6[%swap3A_285, %swap3A_286] {strides = array<i32>} : memref<32x1024xf32, #tpu.memory_space<vmem>>, vector<1x16xf32>,
        %swap3A_288 = vector.shape_cast %swap3A_287 : vector<1x16xf32> to vector<16xf32>
        %swap3A_289 = vector.shape_cast %get3A_284 : vector<16xf32> to vector<1x16xf32>
        tpu.vector_store %arg6[%swap3A_285, %swap3A_286], %swap3A_289 {add = true, strides = array<i32>} : memref<32x1024xf32, #tpu.memory_space<vmem>>, vector<1x16xf32>,
        %get3A_290 = arith.index_cast %scan3A_48 : i32 to index
        %get3A_291 = arith.constant 432 : index
        %get3A_292 = tpu.vector_load %arg5[%get3A_290, %get3A_291] {strides = array<i32>} : memref<32x1024xf32, #tpu.memory_space<vmem>>, vector<1x16xf32>,
        %get3A_293 = vector.shape_cast %get3A_292 : vector<1x16xf32> to vector<16xf32>
        %swap3A_294 = arith.index_cast %scan3A_48 : i32 to index
        %swap3A_295 = arith.constant 432 : index
        %swap3A_296 = tpu.vector_load %arg6[%swap3A_294, %swap3A_295] {strides = array<i32>} : memref<32x1024xf32, #tpu.memory_space<vmem>>, vector<1x16xf32>,
        %swap3A_297 = vector.shape_cast %swap3A_296 : vector<1x16xf32> to vector<16xf32>
        %swap3A_298 = vector.shape_cast %get3A_293 : vector<16xf32> to vector<1x16xf32>
        tpu.vector_store %arg6[%swap3A_294, %swap3A_295], %swap3A_298 {add = true, strides = array<i32>} : memref<32x1024xf32, #tpu.memory_space<vmem>>, vector<1x16xf32>,
        %get3A_299 = arith.index_cast %scan3A_48 : i32 to index
        %get3A_300 = arith.constant 448 : index
        %get3A_301 = tpu.vector_load %arg5[%get3A_299, %get3A_300] {strides = array<i32>} : memref<32x1024xf32, #tpu.memory_space<vmem>>, vector<1x16xf32>,
        %get3A_302 = vector.shape_cast %get3A_301 : vector<1x16xf32> to vector<16xf32>
        %swap3A_303 = arith.index_cast %scan3A_48 : i32 to index
        %swap3A_304 = arith.constant 448 : index
        %swap3A_305 = tpu.vector_load %arg6[%swap3A_303, %swap3A_304] {strides = array<i32>} : memref<32x1024xf32, #tpu.memory_space<vmem>>, vector<1x16xf32>,
        %swap3A_306 = vector.shape_cast %swap3A_305 : vector<1x16xf32> to vector<16xf32>
        %swap3A_307 = vector.shape_cast %get3A_302 : vector<16xf32> to vector<1x16xf32>
        tpu.vector_store %arg6[%swap3A_303, %swap3A_304], %swap3A_307 {add = true, strides = array<i32>} : memref<32x1024xf32, #tpu.memory_space<vmem>>, vector<1x16xf32>,
        %get3A_308 = arith.index_cast %scan3A_48 : i32 to index
        %get3A_309 = arith.constant 464 : index
        %get3A_310 = tpu.vector_load %arg5[%get3A_308, %get3A_309] {strides = array<i32>} : memref<32x1024xf32, #tpu.memory_space<vmem>>, vector<1x16xf32>,
        %get3A_311 = vector.shape_cast %get3A_310 : vector<1x16xf32> to vector<16xf32>
        %swap3A_312 = arith.index_cast %scan3A_48 : i32 to index
        %swap3A_313 = arith.constant 464 : index
        %swap3A_314 = tpu.vector_load %arg6[%swap3A_312, %swap3A_313] {strides = array<i32>} : memref<32x1024xf32, #tpu.memory_space<vmem>>, vector<1x16xf32>,
        %swap3A_315 = vector.shape_cast %swap3A_314 : vector<1x16xf32> to vector<16xf32>
        %swap3A_316 = vector.shape_cast %get3A_311 : vector<16xf32> to vector<1x16xf32>
        tpu.vector_store %arg6[%swap3A_312, %swap3A_313], %swap3A_316 {add = true, strides = array<i32>} : memref<32x1024xf32, #tpu.memory_space<vmem>>, vector<1x16xf32>,
        %get3A_317 = arith.index_cast %scan3A_48 : i32 to index
        %get3A_318 = arith.constant 480 : index
        %get3A_319 = tpu.vector_load %arg5[%get3A_317, %get3A_318] {strides = array<i32>} : memref<32x1024xf32, #tpu.memory_space<vmem>>, vector<1x16xf32>,
        %get3A_320 = vector.shape_cast %get3A_319 : vector<1x16xf32> to vector<16xf32>
        %swap3A_321 = arith.index_cast %scan3A_48 : i32 to index
        %swap3A_322 = arith.constant 480 : index
        %swap3A_323 = tpu.vector_load %arg6[%swap3A_321, %swap3A_322] {strides = array<i32>} : memref<32x1024xf32, #tpu.memory_space<vmem>>, vector<1x16xf32>,
        %swap3A_324 = vector.shape_cast %swap3A_323 : vector<1x16xf32> to vector<16xf32>
        %swap3A_325 = vector.shape_cast %get3A_320 : vector<16xf32> to vector<1x16xf32>
        tpu.vector_store %arg6[%swap3A_321, %swap3A_322], %swap3A_325 {add = true, strides = array<i32>} : memref<32x1024xf32, #tpu.memory_space<vmem>>, vector<1x16xf32>,
        %get3A_326 = arith.index_cast %scan3A_48 : i32 to index
        %get3A_327 = arith.constant 496 : index
        %get3A_328 = tpu.vector_load %arg5[%get3A_326, %get3A_327] {strides = array<i32>} : memref<32x1024xf32, #tpu.memory_space<vmem>>, vector<1x16xf32>,
        %get3A_329 = vector.shape_cast %get3A_328 : vector<1x16xf32> to vector<16xf32>
        %swap3A_330 = arith.index_cast %scan3A_48 : i32 to index
        %swap3A_331 = arith.constant 496 : index
        %swap3A_332 = tpu.vector_load %arg6[%swap3A_330, %swap3A_331] {strides = array<i32>} : memref<32x1024xf32, #tpu.memory_space<vmem>>, vector<1x16xf32>,
        %swap3A_333 = vector.shape_cast %swap3A_332 : vector<1x16xf32> to vector<16xf32>
        %swap3A_334 = vector.shape_cast %get3A_329 : vector<16xf32> to vector<1x16xf32>
        tpu.vector_store %arg6[%swap3A_330, %swap3A_331], %swap3A_334 {add = true, strides = array<i32>} : memref<32x1024xf32, #tpu.memory_space<vmem>>, vector<1x16xf32>,
        %get3A_335 = arith.index_cast %scan3A_48 : i32 to index
        %get3A_336 = arith.constant 512 : index
        %get3A_337 = tpu.vector_load %arg5[%get3A_335, %get3A_336] {strides = array<i32>} : memref<32x1024xf32, #tpu.memory_space<vmem>>, vector<1x16xf32>,
        %get3A_338 = vector.shape_cast %get3A_337 : vector<1x16xf32> to vector<16xf32>
        %swap3A_339 = arith.index_cast %scan3A_48 : i32 to index
        %swap3A_340 = arith.constant 512 : index
        %swap3A_341 = tpu.vector_load %arg6[%swap3A_339, %swap3A_340] {strides = array<i32>} : memref<32x1024xf32, #tpu.memory_space<vmem>>, vector<1x16xf32>,
        %swap3A_342 = vector.shape_cast %swap3A_341 : vector<1x16xf32> to vector<16xf32>
        %swap3A_343 = vector.shape_cast %get3A_338 : vector<16xf32> to vector<1x16xf32>
        tpu.vector_store %arg6[%swap3A_339, %swap3A_340], %swap3A_343 {add = true, strides = array<i32>} : memref<32x1024xf32, #tpu.memory_space<vmem>>, vector<1x16xf32>,
        %get3A_344 = arith.index_cast %scan3A_48 : i32 to index
        %get3A_345 = arith.constant 528 : index
        %get3A_346 = tpu.vector_load %arg5[%get3A_344, %get3A_345] {strides = array<i32>} : memref<32x1024xf32, #tpu.memory_space<vmem>>, vector<1x16xf32>,
        %get3A_347 = vector.shape_cast %get3A_346 : vector<1x16xf32> to vector<16xf32>
        %swap3A_348 = arith.index_cast %scan3A_48 : i32 to index
        %swap3A_349 = arith.constant 528 : index
        %swap3A_350 = tpu.vector_load %arg6[%swap3A_348, %swap3A_349] {strides = array<i32>} : memref<32x1024xf32, #tpu.memory_space<vmem>>, vector<1x16xf32>,
        %swap3A_351 = vector.shape_cast %swap3A_350 : vector<1x16xf32> to vector<16xf32>
        %swap3A_352 = vector.shape_cast %get3A_347 : vector<16xf32> to vector<1x16xf32>
        tpu.vector_store %arg6[%swap3A_348, %swap3A_349], %swap3A_352 {add = true, strides = array<i32>} : memref<32x1024xf32, #tpu.memory_space<vmem>>, vector<1x16xf32>,
        %get3A_353 = arith.index_cast %scan3A_48 : i32 to index
        %get3A_354 = arith.constant 544 : index
        %get3A_355 = tpu.vector_load %arg5[%get3A_353, %get3A_354] {strides = array<i32>} : memref<32x1024xf32, #tpu.memory_space<vmem>>, vector<1x16xf32>,
        %get3A_356 = vector.shape_cast %get3A_355 : vector<1x16xf32> to vector<16xf32>
        %swap3A_357 = arith.index_cast %scan3A_48 : i32 to index
        %swap3A_358 = arith.constant 544 : index
        %swap3A_359 = tpu.vector_load %arg6[%swap3A_357, %swap3A_358] {strides = array<i32>} : memref<32x1024xf32, #tpu.memory_space<vmem>>, vector<1x16xf32>,
        %swap3A_360 = vector.shape_cast %swap3A_359 : vector<1x16xf32> to vector<16xf32>
        %swap3A_361 = vector.shape_cast %get3A_356 : vector<16xf32> to vector<1x16xf32>
        tpu.vector_store %arg6[%swap3A_357, %swap3A_358], %swap3A_361 {add = true, strides = array<i32>} : memref<32x1024xf32, #tpu.memory_space<vmem>>, vector<1x16xf32>,
        %get3A_362 = arith.index_cast %scan3A_48 : i32 to index
        %get3A_363 = arith.constant 560 : index
        %get3A_364 = tpu.vector_load %arg5[%get3A_362, %get3A_363] {strides = array<i32>} : memref<32x1024xf32, #tpu.memory_space<vmem>>, vector<1x16xf32>,
        %get3A_365 = vector.shape_cast %get3A_364 : vector<1x16xf32> to vector<16xf32>
        %swap3A_366 = arith.index_cast %scan3A_48 : i32 to index
        %swap3A_367 = arith.constant 560 : index
        %swap3A_368 = tpu.vector_load %arg6[%swap3A_366, %swap3A_367] {strides = array<i32>} : memref<32x1024xf32, #tpu.memory_space<vmem>>, vector<1x16xf32>,
        %swap3A_369 = vector.shape_cast %swap3A_368 : vector<1x16xf32> to vector<16xf32>
        %swap3A_370 = vector.shape_cast %get3A_365 : vector<16xf32> to vector<1x16xf32>
        tpu.vector_store %arg6[%swap3A_366, %swap3A_367], %swap3A_370 {add = true, strides = array<i32>} : memref<32x1024xf32, #tpu.memory_space<vmem>>, vector<1x16xf32>,
        %get3A_371 = arith.index_cast %scan3A_48 : i32 to index
        %get3A_372 = arith.constant 576 : index
        %get3A_373 = tpu.vector_load %arg5[%get3A_371, %get3A_372] {strides = array<i32>} : memref<32x1024xf32, #tpu.memory_space<vmem>>, vector<1x16xf32>,
        %get3A_374 = vector.shape_cast %get3A_373 : vector<1x16xf32> to vector<16xf32>
        %swap3A_375 = arith.index_cast %scan3A_48 : i32 to index
        %swap3A_376 = arith.constant 576 : index
        %swap3A_377 = tpu.vector_load %arg6[%swap3A_375, %swap3A_376] {strides = array<i32>} : memref<32x1024xf32, #tpu.memory_space<vmem>>, vector<1x16xf32>,
        %swap3A_378 = vector.shape_cast %swap3A_377 : vector<1x16xf32> to vector<16xf32>
        %swap3A_379 = vector.shape_cast %get3A_374 : vector<16xf32> to vector<1x16xf32>
        tpu.vector_store %arg6[%swap3A_375, %swap3A_376], %swap3A_379 {add = true, strides = array<i32>} : memref<32x1024xf32, #tpu.memory_space<vmem>>, vector<1x16xf32>,
        %get3A_380 = arith.index_cast %scan3A_48 : i32 to index
        %get3A_381 = arith.constant 592 : index
        %get3A_382 = tpu.vector_load %arg5[%get3A_380, %get3A_381] {strides = array<i32>} : memref<32x1024xf32, #tpu.memory_space<vmem>>, vector<1x16xf32>,
        %get3A_383 = vector.shape_cast %get3A_382 : vector<1x16xf32> to vector<16xf32>
        %swap3A_384 = arith.index_cast %scan3A_48 : i32 to index
        %swap3A_385 = arith.constant 592 : index
        %swap3A_386 = tpu.vector_load %arg6[%swap3A_384, %swap3A_385] {strides = array<i32>} : memref<32x1024xf32, #tpu.memory_space<vmem>>, vector<1x16xf32>,
        %swap3A_387 = vector.shape_cast %swap3A_386 : vector<1x16xf32> to vector<16xf32>
        %swap3A_388 = vector.shape_cast %get3A_383 : vector<16xf32> to vector<1x16xf32>
        tpu.vector_store %arg6[%swap3A_384, %swap3A_385], %swap3A_388 {add = true, strides = array<i32>} : memref<32x1024xf32, #tpu.memory_space<vmem>>, vector<1x16xf32>,
        %get3A_389 = arith.index_cast %scan3A_48 : i32 to index
        %get3A_390 = arith.constant 608 : index
        %get3A_391 = tpu.vector_load %arg5[%get3A_389, %get3A_390] {strides = array<i32>} : memref<32x1024xf32, #tpu.memory_space<vmem>>, vector<1x16xf32>,
        %get3A_392 = vector.shape_cast %get3A_391 : vector<1x16xf32> to vector<16xf32>
        %swap3A_393 = arith.index_cast %scan3A_48 : i32 to index
        %swap3A_394 = arith.constant 608 : index
        %swap3A_395 = tpu.vector_load %arg6[%swap3A_393, %swap3A_394] {strides = array<i32>} : memref<32x1024xf32, #tpu.memory_space<vmem>>, vector<1x16xf32>,
        %swap3A_396 = vector.shape_cast %swap3A_395 : vector<1x16xf32> to vector<16xf32>
        %swap3A_397 = vector.shape_cast %get3A_392 : vector<16xf32> to vector<1x16xf32>
        tpu.vector_store %arg6[%swap3A_393, %swap3A_394], %swap3A_397 {add = true, strides = array<i32>} : memref<32x1024xf32, #tpu.memory_space<vmem>>, vector<1x16xf32>,
        %get3A_398 = arith.index_cast %scan3A_48 : i32 to index
        %get3A_399 = arith.constant 624 : index
        %get3A_400 = tpu.vector_load %arg5[%get3A_398, %get3A_399] {strides = array<i32>} : memref<32x1024xf32, #tpu.memory_space<vmem>>, vector<1x16xf32>,
        %get3A_401 = vector.shape_cast %get3A_400 : vector<1x16xf32> to vector<16xf32>
        %swap3A_402 = arith.index_cast %scan3A_48 : i32 to index
        %swap3A_403 = arith.constant 624 : index
        %swap3A_404 = tpu.vector_load %arg6[%swap3A_402, %swap3A_403] {strides = array<i32>} : memref<32x1024xf32, #tpu.memory_space<vmem>>, vector<1x16xf32>,
        %swap3A_405 = vector.shape_cast %swap3A_404 : vector<1x16xf32> to vector<16xf32>
        %swap3A_406 = vector.shape_cast %get3A_401 : vector<16xf32> to vector<1x16xf32>
        tpu.vector_store %arg6[%swap3A_402, %swap3A_403], %swap3A_406 {add = true, strides = array<i32>} : memref<32x1024xf32, #tpu.memory_space<vmem>>, vector<1x16xf32>,
        %get3A_407 = arith.index_cast %scan3A_48 : i32 to index
        %get3A_408 = arith.constant 640 : index
        %get3A_409 = tpu.vector_load %arg5[%get3A_407, %get3A_408] {strides = array<i32>} : memref<32x1024xf32, #tpu.memory_space<vmem>>, vector<1x16xf32>,
        %get3A_410 = vector.shape_cast %get3A_409 : vector<1x16xf32> to vector<16xf32>
        %swap3A_411 = arith.index_cast %scan3A_48 : i32 to index
        %swap3A_412 = arith.constant 640 : index
        %swap3A_413 = tpu.vector_load %arg6[%swap3A_411, %swap3A_412] {strides = array<i32>} : memref<32x1024xf32, #tpu.memory_space<vmem>>, vector<1x16xf32>,
        %swap3A_414 = vector.shape_cast %swap3A_413 : vector<1x16xf32> to vector<16xf32>
        %swap3A_415 = vector.shape_cast %get3A_410 : vector<16xf32> to vector<1x16xf32>
        tpu.vector_store %arg6[%swap3A_411, %swap3A_412], %swap3A_415 {add = true, strides = array<i32>} : memref<32x1024xf32, #tpu.memory_space<vmem>>, vector<1x16xf32>,
        %get3A_416 = arith.index_cast %scan3A_48 : i32 to index
        %get3A_417 = arith.constant 656 : index
        %get3A_418 = tpu.vector_load %arg5[%get3A_416, %get3A_417] {strides = array<i32>} : memref<32x1024xf32, #tpu.memory_space<vmem>>, vector<1x16xf32>,
        %get3A_419 = vector.shape_cast %get3A_418 : vector<1x16xf32> to vector<16xf32>
        %swap3A_420 = arith.index_cast %scan3A_48 : i32 to index
        %swap3A_421 = arith.constant 656 : index
        %swap3A_422 = tpu.vector_load %arg6[%swap3A_420, %swap3A_421] {strides = array<i32>} : memref<32x1024xf32, #tpu.memory_space<vmem>>, vector<1x16xf32>,
        %swap3A_423 = vector.shape_cast %swap3A_422 : vector<1x16xf32> to vector<16xf32>
        %swap3A_424 = vector.shape_cast %get3A_419 : vector<16xf32> to vector<1x16xf32>
        tpu.vector_store %arg6[%swap3A_420, %swap3A_421], %swap3A_424 {add = true, strides = array<i32>} : memref<32x1024xf32, #tpu.memory_space<vmem>>, vector<1x16xf32>,
        %get3A_425 = arith.index_cast %scan3A_48 : i32 to index
        %get3A_426 = arith.constant 672 : index
        %get3A_427 = tpu.vector_load %arg5[%get3A_425, %get3A_426] {strides = array<i32>} : memref<32x1024xf32, #tpu.memory_space<vmem>>, vector<1x16xf32>,
        %get3A_428 = vector.shape_cast %get3A_427 : vector<1x16xf32> to vector<16xf32>
        %swap3A_429 = arith.index_cast %scan3A_48 : i32 to index
        %swap3A_430 = arith.constant 672 : index
        %swap3A_431 = tpu.vector_load %arg6[%swap3A_429, %swap3A_430] {strides = array<i32>} : memref<32x1024xf32, #tpu.memory_space<vmem>>, vector<1x16xf32>,
        %swap3A_432 = vector.shape_cast %swap3A_431 : vector<1x16xf32> to vector<16xf32>
        %swap3A_433 = vector.shape_cast %get3A_428 : vector<16xf32> to vector<1x16xf32>
        tpu.vector_store %arg6[%swap3A_429, %swap3A_430], %swap3A_433 {add = true, strides = array<i32>} : memref<32x1024xf32, #tpu.memory_space<vmem>>, vector<1x16xf32>,
        %get3A_434 = arith.index_cast %scan3A_48 : i32 to index
        %get3A_435 = arith.constant 688 : index
        %get3A_436 = tpu.vector_load %arg5[%get3A_434, %get3A_435] {strides = array<i32>} : memref<32x1024xf32, #tpu.memory_space<vmem>>, vector<1x16xf32>,
        %get3A_437 = vector.shape_cast %get3A_436 : vector<1x16xf32> to vector<16xf32>
        %swap3A_438 = arith.index_cast %scan3A_48 : i32 to index
        %swap3A_439 = arith.constant 688 : index
        %swap3A_440 = tpu.vector_load %arg6[%swap3A_438, %swap3A_439] {strides = array<i32>} : memref<32x1024xf32, #tpu.memory_space<vmem>>, vector<1x16xf32>,
        %swap3A_441 = vector.shape_cast %swap3A_440 : vector<1x16xf32> to vector<16xf32>
        %swap3A_442 = vector.shape_cast %get3A_437 : vector<16xf32> to vector<1x16xf32>
        tpu.vector_store %arg6[%swap3A_438, %swap3A_439], %swap3A_442 {add = true, strides = array<i32>} : memref<32x1024xf32, #tpu.memory_space<vmem>>, vector<1x16xf32>,
        %get3A_443 = arith.index_cast %scan3A_48 : i32 to index
        %get3A_444 = arith.constant 704 : index
        %get3A_445 = tpu.vector_load %arg5[%get3A_443, %get3A_444] {strides = array<i32>} : memref<32x1024xf32, #tpu.memory_space<vmem>>, vector<1x16xf32>,
        %get3A_446 = vector.shape_cast %get3A_445 : vector<1x16xf32> to vector<16xf32>
        %swap3A_447 = arith.index_cast %scan3A_48 : i32 to index
        %swap3A_448 = arith.constant 704 : index
        %swap3A_449 = tpu.vector_load %arg6[%swap3A_447, %swap3A_448] {strides = array<i32>} : memref<32x1024xf32, #tpu.memory_space<vmem>>, vector<1x16xf32>,
        %swap3A_450 = vector.shape_cast %swap3A_449 : vector<1x16xf32> to vector<16xf32>
        %swap3A_451 = vector.shape_cast %get3A_446 : vector<16xf32> to vector<1x16xf32>
        tpu.vector_store %arg6[%swap3A_447, %swap3A_448], %swap3A_451 {add = true, strides = array<i32>} : memref<32x1024xf32, #tpu.memory_space<vmem>>, vector<1x16xf32>,
        %get3A_452 = arith.index_cast %scan3A_48 : i32 to index
        %get3A_453 = arith.constant 720 : index
        %get3A_454 = tpu.vector_load %arg5[%get3A_452, %get3A_453] {strides = array<i32>} : memref<32x1024xf32, #tpu.memory_space<vmem>>, vector<1x16xf32>,
        %get3A_455 = vector.shape_cast %get3A_454 : vector<1x16xf32> to vector<16xf32>
        %swap3A_456 = arith.index_cast %scan3A_48 : i32 to index
        %swap3A_457 = arith.constant 720 : index
        %swap3A_458 = tpu.vector_load %arg6[%swap3A_456, %swap3A_457] {strides = array<i32>} : memref<32x1024xf32, #tpu.memory_space<vmem>>, vector<1x16xf32>,
        %swap3A_459 = vector.shape_cast %swap3A_458 : vector<1x16xf32> to vector<16xf32>
        %swap3A_460 = vector.shape_cast %get3A_455 : vector<16xf32> to vector<1x16xf32>
        tpu.vector_store %arg6[%swap3A_456, %swap3A_457], %swap3A_460 {add = true, strides = array<i32>} : memref<32x1024xf32, #tpu.memory_space<vmem>>, vector<1x16xf32>,
        %get3A_461 = arith.index_cast %scan3A_48 : i32 to index
        %get3A_462 = arith.constant 736 : index
        %get3A_463 = tpu.vector_load %arg5[%get3A_461, %get3A_462] {strides = array<i32>} : memref<32x1024xf32, #tpu.memory_space<vmem>>, vector<1x16xf32>,
        %get3A_464 = vector.shape_cast %get3A_463 : vector<1x16xf32> to vector<16xf32>
        %swap3A_465 = arith.index_cast %scan3A_48 : i32 to index
        %swap3A_466 = arith.constant 736 : index
        %swap3A_467 = tpu.vector_load %arg6[%swap3A_465, %swap3A_466] {strides = array<i32>} : memref<32x1024xf32, #tpu.memory_space<vmem>>, vector<1x16xf32>,
        %swap3A_468 = vector.shape_cast %swap3A_467 : vector<1x16xf32> to vector<16xf32>
        %swap3A_469 = vector.shape_cast %get3A_464 : vector<16xf32> to vector<1x16xf32>
        tpu.vector_store %arg6[%swap3A_465, %swap3A_466], %swap3A_469 {add = true, strides = array<i32>} : memref<32x1024xf32, #tpu.memory_space<vmem>>, vector<1x16xf32>,
        %get3A_470 = arith.index_cast %scan3A_48 : i32 to index
        %get3A_471 = arith.constant 752 : index
        %get3A_472 = tpu.vector_load %arg5[%get3A_470, %get3A_471] {strides = array<i32>} : memref<32x1024xf32, #tpu.memory_space<vmem>>, vector<1x16xf32>,
        %get3A_473 = vector.shape_cast %get3A_472 : vector<1x16xf32> to vector<16xf32>
        %swap3A_474 = arith.index_cast %scan3A_48 : i32 to index
        %swap3A_475 = arith.constant 752 : index
        %swap3A_476 = tpu.vector_load %arg6[%swap3A_474, %swap3A_475] {strides = array<i32>} : memref<32x1024xf32, #tpu.memory_space<vmem>>, vector<1x16xf32>,
        %swap3A_477 = vector.shape_cast %swap3A_476 : vector<1x16xf32> to vector<16xf32>
        %swap3A_478 = vector.shape_cast %get3A_473 : vector<16xf32> to vector<1x16xf32>
        tpu.vector_store %arg6[%swap3A_474, %swap3A_475], %swap3A_478 {add = true, strides = array<i32>} : memref<32x1024xf32, #tpu.memory_space<vmem>>, vector<1x16xf32>,
        %get3A_479 = arith.index_cast %scan3A_48 : i32 to index
        %get3A_480 = arith.constant 768 : index
        %get3A_481 = tpu.vector_load %arg5[%get3A_479, %get3A_480] {strides = array<i32>} : memref<32x1024xf32, #tpu.memory_space<vmem>>, vector<1x16xf32>,
        %get3A_482 = vector.shape_cast %get3A_481 : vector<1x16xf32> to vector<16xf32>
        %swap3A_483 = arith.index_cast %scan3A_48 : i32 to index
        %swap3A_484 = arith.constant 768 : index
        %swap3A_485 = tpu.vector_load %arg6[%swap3A_483, %swap3A_484] {strides = array<i32>} : memref<32x1024xf32, #tpu.memory_space<vmem>>, vector<1x16xf32>,
        %swap3A_486 = vector.shape_cast %swap3A_485 : vector<1x16xf32> to vector<16xf32>
        %swap3A_487 = vector.shape_cast %get3A_482 : vector<16xf32> to vector<1x16xf32>
        tpu.vector_store %arg6[%swap3A_483, %swap3A_484], %swap3A_487 {add = true, strides = array<i32>} : memref<32x1024xf32, #tpu.memory_space<vmem>>, vector<1x16xf32>,
        %get3A_488 = arith.index_cast %scan3A_48 : i32 to index
        %get3A_489 = arith.constant 784 : index
        %get3A_490 = tpu.vector_load %arg5[%get3A_488, %get3A_489] {strides = array<i32>} : memref<32x1024xf32, #tpu.memory_space<vmem>>, vector<1x16xf32>,
        %get3A_491 = vector.shape_cast %get3A_490 : vector<1x16xf32> to vector<16xf32>
        %swap3A_492 = arith.index_cast %scan3A_48 : i32 to index
        %swap3A_493 = arith.constant 784 : index
        %swap3A_494 = tpu.vector_load %arg6[%swap3A_492, %swap3A_493] {strides = array<i32>} : memref<32x1024xf32, #tpu.memory_space<vmem>>, vector<1x16xf32>,
        %swap3A_495 = vector.shape_cast %swap3A_494 : vector<1x16xf32> to vector<16xf32>
        %swap3A_496 = vector.shape_cast %get3A_491 : vector<16xf32> to vector<1x16xf32>
        tpu.vector_store %arg6[%swap3A_492, %swap3A_493], %swap3A_496 {add = true, strides = array<i32>} : memref<32x1024xf32, #tpu.memory_space<vmem>>, vector<1x16xf32>,
        %get3A_497 = arith.index_cast %scan3A_48 : i32 to index
        %get3A_498 = arith.constant 800 : index
        %get3A_499 = tpu.vector_load %arg5[%get3A_497, %get3A_498] {strides = array<i32>} : memref<32x1024xf32, #tpu.memory_space<vmem>>, vector<1x16xf32>,
        %get3A_500 = vector.shape_cast %get3A_499 : vector<1x16xf32> to vector<16xf32>
        %swap3A_501 = arith.index_cast %scan3A_48 : i32 to index
        %swap3A_502 = arith.constant 800 : index
        %swap3A_503 = tpu.vector_load %arg6[%swap3A_501, %swap3A_502] {strides = array<i32>} : memref<32x1024xf32, #tpu.memory_space<vmem>>, vector<1x16xf32>,
        %swap3A_504 = vector.shape_cast %swap3A_503 : vector<1x16xf32> to vector<16xf32>
        %swap3A_505 = vector.shape_cast %get3A_500 : vector<16xf32> to vector<1x16xf32>
        tpu.vector_store %arg6[%swap3A_501, %swap3A_502], %swap3A_505 {add = true, strides = array<i32>} : memref<32x1024xf32, #tpu.memory_space<vmem>>, vector<1x16xf32>,
        %get3A_506 = arith.index_cast %scan3A_48 : i32 to index
        %get3A_507 = arith.constant 816 : index
        %get3A_508 = tpu.vector_load %arg5[%get3A_506, %get3A_507] {strides = array<i32>} : memref<32x1024xf32, #tpu.memory_space<vmem>>, vector<1x16xf32>,
        %get3A_509 = vector.shape_cast %get3A_508 : vector<1x16xf32> to vector<16xf32>
        %swap3A_510 = arith.index_cast %scan3A_48 : i32 to index
        %swap3A_511 = arith.constant 816 : index
        %swap3A_512 = tpu.vector_load %arg6[%swap3A_510, %swap3A_511] {strides = array<i32>} : memref<32x1024xf32, #tpu.memory_space<vmem>>, vector<1x16xf32>,
        %swap3A_513 = vector.shape_cast %swap3A_512 : vector<1x16xf32> to vector<16xf32>
        %swap3A_514 = vector.shape_cast %get3A_509 : vector<16xf32> to vector<1x16xf32>
        tpu.vector_store %arg6[%swap3A_510, %swap3A_511], %swap3A_514 {add = true, strides = array<i32>} : memref<32x1024xf32, #tpu.memory_space<vmem>>, vector<1x16xf32>,
        %get3A_515 = arith.index_cast %scan3A_48 : i32 to index
        %get3A_516 = arith.constant 832 : index
        %get3A_517 = tpu.vector_load %arg5[%get3A_515, %get3A_516] {strides = array<i32>} : memref<32x1024xf32, #tpu.memory_space<vmem>>, vector<1x16xf32>,
        %get3A_518 = vector.shape_cast %get3A_517 : vector<1x16xf32> to vector<16xf32>
        %swap3A_519 = arith.index_cast %scan3A_48 : i32 to index
        %swap3A_520 = arith.constant 832 : index
        %swap3A_521 = tpu.vector_load %arg6[%swap3A_519, %swap3A_520] {strides = array<i32>} : memref<32x1024xf32, #tpu.memory_space<vmem>>, vector<1x16xf32>,
        %swap3A_522 = vector.shape_cast %swap3A_521 : vector<1x16xf32> to vector<16xf32>
        %swap3A_523 = vector.shape_cast %get3A_518 : vector<16xf32> to vector<1x16xf32>
        tpu.vector_store %arg6[%swap3A_519, %swap3A_520], %swap3A_523 {add = true, strides = array<i32>} : memref<32x1024xf32, #tpu.memory_space<vmem>>, vector<1x16xf32>,
        %get3A_524 = arith.index_cast %scan3A_48 : i32 to index
        %get3A_525 = arith.constant 848 : index
        %get3A_526 = tpu.vector_load %arg5[%get3A_524, %get3A_525] {strides = array<i32>} : memref<32x1024xf32, #tpu.memory_space<vmem>>, vector<1x16xf32>,
        %get3A_527 = vector.shape_cast %get3A_526 : vector<1x16xf32> to vector<16xf32>
        %swap3A_528 = arith.index_cast %scan3A_48 : i32 to index
        %swap3A_529 = arith.constant 848 : index
        %swap3A_530 = tpu.vector_load %arg6[%swap3A_528, %swap3A_529] {strides = array<i32>} : memref<32x1024xf32, #tpu.memory_space<vmem>>, vector<1x16xf32>,
        %swap3A_531 = vector.shape_cast %swap3A_530 : vector<1x16xf32> to vector<16xf32>
        %swap3A_532 = vector.shape_cast %get3A_527 : vector<16xf32> to vector<1x16xf32>
        tpu.vector_store %arg6[%swap3A_528, %swap3A_529], %swap3A_532 {add = true, strides = array<i32>} : memref<32x1024xf32, #tpu.memory_space<vmem>>, vector<1x16xf32>,
        %get3A_533 = arith.index_cast %scan3A_48 : i32 to index
        %get3A_534 = arith.constant 864 : index
        %get3A_535 = tpu.vector_load %arg5[%get3A_533, %get3A_534] {strides = array<i32>} : memref<32x1024xf32, #tpu.memory_space<vmem>>, vector<1x16xf32>,
        %get3A_536 = vector.shape_cast %get3A_535 : vector<1x16xf32> to vector<16xf32>
        %swap3A_537 = arith.index_cast %scan3A_48 : i32 to index
        %swap3A_538 = arith.constant 864 : index
        %swap3A_539 = tpu.vector_load %arg6[%swap3A_537, %swap3A_538] {strides = array<i32>} : memref<32x1024xf32, #tpu.memory_space<vmem>>, vector<1x16xf32>,
        %swap3A_540 = vector.shape_cast %swap3A_539 : vector<1x16xf32> to vector<16xf32>
        %swap3A_541 = vector.shape_cast %get3A_536 : vector<16xf32> to vector<1x16xf32>
        tpu.vector_store %arg6[%swap3A_537, %swap3A_538], %swap3A_541 {add = true, strides = array<i32>} : memref<32x1024xf32, #tpu.memory_space<vmem>>, vector<1x16xf32>,
        %get3A_542 = arith.index_cast %scan3A_48 : i32 to index
        %get3A_543 = arith.constant 880 : index
        %get3A_544 = tpu.vector_load %arg5[%get3A_542, %get3A_543] {strides = array<i32>} : memref<32x1024xf32, #tpu.memory_space<vmem>>, vector<1x16xf32>,
        %get3A_545 = vector.shape_cast %get3A_544 : vector<1x16xf32> to vector<16xf32>
        %swap3A_546 = arith.index_cast %scan3A_48 : i32 to index
        %swap3A_547 = arith.constant 880 : index
        %swap3A_548 = tpu.vector_load %arg6[%swap3A_546, %swap3A_547] {strides = array<i32>} : memref<32x1024xf32, #tpu.memory_space<vmem>>, vector<1x16xf32>,
        %swap3A_549 = vector.shape_cast %swap3A_548 : vector<1x16xf32> to vector<16xf32>
        %swap3A_550 = vector.shape_cast %get3A_545 : vector<16xf32> to vector<1x16xf32>
        tpu.vector_store %arg6[%swap3A_546, %swap3A_547], %swap3A_550 {add = true, strides = array<i32>} : memref<32x1024xf32, #tpu.memory_space<vmem>>, vector<1x16xf32>,
        %get3A_551 = arith.index_cast %scan3A_48 : i32 to index
        %get3A_552 = arith.constant 896 : index
        %get3A_553 = tpu.vector_load %arg5[%get3A_551, %get3A_552] {strides = array<i32>} : memref<32x1024xf32, #tpu.memory_space<vmem>>, vector<1x16xf32>,
        %get3A_554 = vector.shape_cast %get3A_553 : vector<1x16xf32> to vector<16xf32>
        %swap3A_555 = arith.index_cast %scan3A_48 : i32 to index
        %swap3A_556 = arith.constant 896 : index
        %swap3A_557 = tpu.vector_load %arg6[%swap3A_555, %swap3A_556] {strides = array<i32>} : memref<32x1024xf32, #tpu.memory_space<vmem>>, vector<1x16xf32>,
        %swap3A_558 = vector.shape_cast %swap3A_557 : vector<1x16xf32> to vector<16xf32>
        %swap3A_559 = vector.shape_cast %get3A_554 : vector<16xf32> to vector<1x16xf32>
        tpu.vector_store %arg6[%swap3A_555, %swap3A_556], %swap3A_559 {add = true, strides = array<i32>} : memref<32x1024xf32, #tpu.memory_space<vmem>>, vector<1x16xf32>,
        %get3A_560 = arith.index_cast %scan3A_48 : i32 to index
        %get3A_561 = arith.constant 912 : index
        %get3A_562 = tpu.vector_load %arg5[%get3A_560, %get3A_561] {strides = array<i32>} : memref<32x1024xf32, #tpu.memory_space<vmem>>, vector<1x16xf32>,
        %get3A_563 = vector.shape_cast %get3A_562 : vector<1x16xf32> to vector<16xf32>
        %swap3A_564 = arith.index_cast %scan3A_48 : i32 to index
        %swap3A_565 = arith.constant 912 : index
        %swap3A_566 = tpu.vector_load %arg6[%swap3A_564, %swap3A_565] {strides = array<i32>} : memref<32x1024xf32, #tpu.memory_space<vmem>>, vector<1x16xf32>,
        %swap3A_567 = vector.shape_cast %swap3A_566 : vector<1x16xf32> to vector<16xf32>
        %swap3A_568 = vector.shape_cast %get3A_563 : vector<16xf32> to vector<1x16xf32>
        tpu.vector_store %arg6[%swap3A_564, %swap3A_565], %swap3A_568 {add = true, strides = array<i32>} : memref<32x1024xf32, #tpu.memory_space<vmem>>, vector<1x16xf32>,
        %get3A_569 = arith.index_cast %scan3A_48 : i32 to index
        %get3A_570 = arith.constant 928 : index
        %get3A_571 = tpu.vector_load %arg5[%get3A_569, %get3A_570] {strides = array<i32>} : memref<32x1024xf32, #tpu.memory_space<vmem>>, vector<1x16xf32>,
        %get3A_572 = vector.shape_cast %get3A_571 : vector<1x16xf32> to vector<16xf32>
        %swap3A_573 = arith.index_cast %scan3A_48 : i32 to index
        %swap3A_574 = arith.constant 928 : index
        %swap3A_575 = tpu.vector_load %arg6[%swap3A_573, %swap3A_574] {strides = array<i32>} : memref<32x1024xf32, #tpu.memory_space<vmem>>, vector<1x16xf32>,
        %swap3A_576 = vector.shape_cast %swap3A_575 : vector<1x16xf32> to vector<16xf32>
        %swap3A_577 = vector.shape_cast %get3A_572 : vector<16xf32> to vector<1x16xf32>
        tpu.vector_store %arg6[%swap3A_573, %swap3A_574], %swap3A_577 {add = true, strides = array<i32>} : memref<32x1024xf32, #tpu.memory_space<vmem>>, vector<1x16xf32>,
        %get3A_578 = arith.index_cast %scan3A_48 : i32 to index
        %get3A_579 = arith.constant 944 : index
        %get3A_580 = tpu.vector_load %arg5[%get3A_578, %get3A_579] {strides = array<i32>} : memref<32x1024xf32, #tpu.memory_space<vmem>>, vector<1x16xf32>,
        %get3A_581 = vector.shape_cast %get3A_580 : vector<1x16xf32> to vector<16xf32>
        %swap3A_582 = arith.index_cast %scan3A_48 : i32 to index
        %swap3A_583 = arith.constant 944 : index
        %swap3A_584 = tpu.vector_load %arg6[%swap3A_582, %swap3A_583] {strides = array<i32>} : memref<32x1024xf32, #tpu.memory_space<vmem>>, vector<1x16xf32>,
        %swap3A_585 = vector.shape_cast %swap3A_584 : vector<1x16xf32> to vector<16xf32>
        %swap3A_586 = vector.shape_cast %get3A_581 : vector<16xf32> to vector<1x16xf32>
        tpu.vector_store %arg6[%swap3A_582, %swap3A_583], %swap3A_586 {add = true, strides = array<i32>} : memref<32x1024xf32, #tpu.memory_space<vmem>>, vector<1x16xf32>,
        %get3A_587 = arith.index_cast %scan3A_48 : i32 to index
        %get3A_588 = arith.constant 960 : index
        %get3A_589 = tpu.vector_load %arg5[%get3A_587, %get3A_588] {strides = array<i32>} : memref<32x1024xf32, #tpu.memory_space<vmem>>, vector<1x16xf32>,
        %get3A_590 = vector.shape_cast %get3A_589 : vector<1x16xf32> to vector<16xf32>
        %swap3A_591 = arith.index_cast %scan3A_48 : i32 to index
        %swap3A_592 = arith.constant 960 : index
        %swap3A_593 = tpu.vector_load %arg6[%swap3A_591, %swap3A_592] {strides = array<i32>} : memref<32x1024xf32, #tpu.memory_space<vmem>>, vector<1x16xf32>,
        %swap3A_594 = vector.shape_cast %swap3A_593 : vector<1x16xf32> to vector<16xf32>
        %swap3A_595 = vector.shape_cast %get3A_590 : vector<16xf32> to vector<1x16xf32>
        tpu.vector_store %arg6[%swap3A_591, %swap3A_592], %swap3A_595 {add = true, strides = array<i32>} : memref<32x1024xf32, #tpu.memory_space<vmem>>, vector<1x16xf32>,
        %get3A_596 = arith.index_cast %scan3A_48 : i32 to index
        %get3A_597 = arith.constant 976 : index
        %get3A_598 = tpu.vector_load %arg5[%get3A_596, %get3A_597] {strides = array<i32>} : memref<32x1024xf32, #tpu.memory_space<vmem>>, vector<1x16xf32>,
        %get3A_599 = vector.shape_cast %get3A_598 : vector<1x16xf32> to vector<16xf32>
        %swap3A_600 = arith.index_cast %scan3A_48 : i32 to index
        %swap3A_601 = arith.constant 976 : index
        %swap3A_602 = tpu.vector_load %arg6[%swap3A_600, %swap3A_601] {strides = array<i32>} : memref<32x1024xf32, #tpu.memory_space<vmem>>, vector<1x16xf32>,
        %swap3A_603 = vector.shape_cast %swap3A_602 : vector<1x16xf32> to vector<16xf32>
        %swap3A_604 = vector.shape_cast %get3A_599 : vector<16xf32> to vector<1x16xf32>
        tpu.vector_store %arg6[%swap3A_600, %swap3A_601], %swap3A_604 {add = true, strides = array<i32>} : memref<32x1024xf32, #tpu.memory_space<vmem>>, vector<1x16xf32>,
        %get3A_605 = arith.index_cast %scan3A_48 : i32 to index
        %get3A_606 = arith.constant 992 : index
        %get3A_607 = tpu.vector_load %arg5[%get3A_605, %get3A_606] {strides = array<i32>} : memref<32x1024xf32, #tpu.memory_space<vmem>>, vector<1x16xf32>,
        %get3A_608 = vector.shape_cast %get3A_607 : vector<1x16xf32> to vector<16xf32>
        %swap3A_609 = arith.index_cast %scan3A_48 : i32 to index
        %swap3A_610 = arith.constant 992 : index
        %swap3A_611 = tpu.vector_load %arg6[%swap3A_609, %swap3A_610] {strides = array<i32>} : memref<32x1024xf32, #tpu.memory_space<vmem>>, vector<1x16xf32>,
        %swap3A_612 = vector.shape_cast %swap3A_611 : vector<1x16xf32> to vector<16xf32>
        %swap3A_613 = vector.shape_cast %get3A_608 : vector<16xf32> to vector<1x16xf32>
        tpu.vector_store %arg6[%swap3A_609, %swap3A_610], %swap3A_613 {add = true, strides = array<i32>} : memref<32x1024xf32, #tpu.memory_space<vmem>>, vector<1x16xf32>,
        %get3A_614 = arith.index_cast %scan3A_48 : i32 to index
        %get3A_615 = arith.constant 1008 : index
        %get3A_616 = tpu.vector_load %arg5[%get3A_614, %get3A_615] {strides = array<i32>} : memref<32x1024xf32, #tpu.memory_space<vmem>>, vector<1x16xf32>,
        %get3A_617 = vector.shape_cast %get3A_616 : vector<1x16xf32> to vector<16xf32>
        %swap3A_618 = arith.index_cast %scan3A_48 : i32 to index
        %swap3A_619 = arith.constant 1008 : index
        %swap3A_620 = tpu.vector_load %arg6[%swap3A_618, %swap3A_619] {strides = array<i32>} : memref<32x1024xf32, #tpu.memory_space<vmem>>, vector<1x16xf32>,
        %swap3A_621 = vector.shape_cast %swap3A_620 : vector<1x16xf32> to vector<16xf32>
        %swap3A_622 = vector.shape_cast %get3A_617 : vector<16xf32> to vector<1x16xf32>
        tpu.vector_store %arg6[%swap3A_618, %swap3A_619], %swap3A_622 {add = true, strides = array<i32>} : memref<32x1024xf32, #tpu.memory_space<vmem>>, vector<1x16xf32>,
      }
      %scan3A_47 = arith.constant 32 : i32
      "tpu.region"() ({
        %run_scoped3A = tpu.sem_alloc : memref<!tpu.dma_semaphore, #tpu.memory_space<semaphore_mem>>
        %dma_start3A = arith.constant 0 : i32
        %dma_start3A_48 = tpu.memref_slice %arg4[%select_n3A, %select_n3A_41, %dma_start3A] : memref<1x2048x1024xf32, #tpu.memory_space<hbm>> -> memref<1x32x1024xf32, #tpu.memory_space<hbm>>
        %dma_start3A_49 = tpu.memref_squeeze %dma_start3A_48 : memref<1x32x1024xf32, #tpu.memory_space<hbm>> -> memref<32x1024xf32, #tpu.memory_space<hbm>>
        %dma_start3A_50 = arith.constant 0 : i32
        %dma_start3A_51 = tpu.memref_slice %arg4[%select_n3A, %select_n3A_41, %dma_start3A_50] : memref<1x2048x1024xf32, #tpu.memory_space<hbm>> -> memref<1x32x1024xf32, #tpu.memory_space<hbm>>
        %dma_start3A_52 = tpu.memref_squeeze %dma_start3A_51 : memref<1x32x1024xf32, #tpu.memory_space<hbm>> -> memref<32x1024xf32, #tpu.memory_space<hbm>>
        tpu.enqueue_dma source(%arg6 : memref<32x1024xf32, #tpu.memory_space<vmem>>) target(%dma_start3A_52 : memref<32x1024xf32, #tpu.memory_space<hbm>>) target_semaphore(%run_scoped3A : memref<!tpu.dma_semaphore, #tpu.memory_space<semaphore_mem>>)
        %dma_wait3A = arith.constant 0 : i32
        %dma_wait3A_53 = tpu.memref_slice %arg4[%select_n3A, %select_n3A_41, %dma_wait3A] : memref<1x2048x1024xf32, #tpu.memory_space<hbm>> -> memref<1x32x1024xf32, #tpu.memory_space<hbm>>
        %dma_wait3A_54 = tpu.memref_squeeze %dma_wait3A_53 : memref<1x32x1024xf32, #tpu.memory_space<hbm>> -> memref<32x1024xf32, #tpu.memory_space<hbm>>
        %dma_wait3A_55 = arith.constant 0 : i32
        %dma_wait3A_56 = tpu.memref_slice %arg4[%select_n3A, %select_n3A_41, %dma_wait3A_55] : memref<1x2048x1024xf32, #tpu.memory_space<hbm>> -> memref<1x32x1024xf32, #tpu.memory_space<hbm>>
        %dma_wait3A_57 = tpu.memref_squeeze %dma_wait3A_56 : memref<1x32x1024xf32, #tpu.memory_space<hbm>> -> memref<32x1024xf32, #tpu.memory_space<hbm>>
        tpu.wait_dma2 semaphore(%run_scoped3A : memref<!tpu.dma_semaphore, #tpu.memory_space<semaphore_mem>>) src(%arg6 : memref<32x1024xf32, #tpu.memory_space<vmem>>) dst(%dma_wait3A_57 : memref<32x1024xf32, #tpu.memory_space<hbm>>)
        tpu.yield
      }) : () -> ()
    }
    %scan3A_5 = arith.constant 2 : i32
    return
  }
}

module attributes {stable_mosaic.version = 14 : i64} {
  func.func @_tc_body(%arg0: i32, %arg1: memref<1x2048x1024xf32, #tpu.memory_space<vmem>>, %arg2: memref<2048x1024xf32, #tpu.memory_space<vmem>>, %arg3: memref<1x2048x1024xf32, #tpu.memory_space<vmem>>) attributes {dimension_semantics = [#tpu.dimension_semantics<arbitrary>], iteration_bounds = array<i64: 3>, scalar_prefetch = 0 : i64, scratch_operands = 0 : i64, tpu.core_type = #tpu.core_type<tc>, window_params = [{transform_indices = @transform_0, window_bounds = array<i64: 1, 2048, 1024>}, {pipeline_mode = #tpu.pipeline_mode<synchronous>, transform_indices = @transform_1, window_bounds = array<i64: 2048, 1024>}, {transform_indices = @transform_2, window_bounds = array<i64: 1, 2048, 1024>}]} {
    %get3A = arith.constant 0 : index
    %get3A_0 = arith.constant 0 : index
    %get3A_1 = arith.constant 0 : index
    %get3A_2 = vector.load %arg1[%get3A, %get3A_0, %get3A_1] : memref<1x2048x1024xf32, #tpu.memory_space<vmem>>, vector<1x2048x1024xf32>
    %get3A_3 = arith.constant 0 : index
    %get3A_4 = arith.constant 0 : index
    %get3A_5 = vector.load %arg2[%get3A_3, %get3A_4] : memref<2048x1024xf32, #tpu.memory_space<vmem>>, vector<2048x1024xf32>
    %broadcast_in_dim3A = vector.shape_cast %get3A_5 : vector<2048x1024xf32> to vector<1x2048x1024xf32>
    %add3A = arith.addf %get3A_2, %broadcast_in_dim3A : vector<1x2048x1024xf32>
    %swap3A = arith.constant 0 : index
    %swap3A_6 = arith.constant 0 : index
    %swap3A_7 = arith.constant 0 : index
    %swap3A_8 = vector.load %arg3[%swap3A, %swap3A_6, %swap3A_7] : memref<1x2048x1024xf32, #tpu.memory_space<vmem>>, vector<1x2048x1024xf32>
    tpu.vector_store %arg3[%swap3A, %swap3A_6, %swap3A_7], %add3A {strides = array<i32>} : memref<1x2048x1024xf32, #tpu.memory_space<vmem>>, vector<1x2048x1024xf32>,
    return
  }
  func.func @transform_0(%arg0: i32) -> (i32, i32, i32) {
    %c0_i32 = arith.constant 0 : i32
    %c0_i32_0 = arith.constant 0 : i32
    %c0_i32_1 = arith.constant 0 : i32
    return %arg0, %c0_i32, %c0_i32_0 : i32, i32, i32
  }
  func.func @transform_1(%arg0: i32) -> (i32, i32) {
    %c0_i32 = arith.constant 0 : i32
    %c0_i32_0 = arith.constant 0 : i32
    %c0_i32_1 = arith.constant 0 : i32
    return %c0_i32, %c0_i32_0 : i32, i32
  }
  func.func @transform_2(%arg0: i32) -> (i32, i32, i32) {
    %c0_i32 = arith.constant 0 : i32
    %c0_i32_0 = arith.constant 0 : i32
    %c0_i32_1 = arith.constant 0 : i32
    return %arg0, %c0_i32, %c0_i32_0 : i32, i32, i32
  }
}

</mosaic_0001>

<sc_bundles>
// kernel: kernel.4.cloned.1.call-start
scs
__scs_entry_jumppad:
0x0: {  	(pc) =	sbr.rel $0x88, $3  }
0x1: {  	(tag) =	ssettag $0x0;
	lr =	simm.s32 $0x1  }
0x2: {  	[smem:$0x3F9F] =	sst lr;
	_ =	strace $0xD0000000  }
0x3: {  	_ = 	snop  }
0x4: {  	_ = 	snop  }
0x5: {  	_ = 	snop  }
0x6: {  	_ = 	snop  }
0x7: {  	_ = 	snop  }
__scs_overlays_trampoline_lowered:
0x8: {  	[smem:$0x3FAE] =	sst s0  }
0x9: {  	[smem:$0x3FAF] =	sst s1  }
0xa: {  	[smem:$0x3FB0] =	sst s2  }
0xb: {  	[smem:$0x3FB1] =	sst s3  }
0xc: {  	[smem:$0x3FB2] =	sst s4  }
0xd: {  	[smem:$0x3FB3] =	sst s5  }
0xe: {  	[smem:$0x3FB4] =	sst s6  }
0xf: {  	[smem:$0x3FB5] =	sst s7  }
0x10: {  	[smem:$0x3FB6] =	sst s8  }
0x11: {  	[smem:$0x3FB7] =	sst s9;
	s0 =	simm.s32 @!p0 $0x0  }
0x12: {  	s1 =	sld [smem:$0x3F9D];
	s0 =	simm.s32 @p0 $0x1  }
0x13: {  	[smem:$0x3FB8] =	sst s0;
	s0 =	simm.s32 @!p1 $0x0  }
0x14: {  	s2 =	sld [smem:$0x3F9C];
	s0 =	simm.s32 @p1 $0x1  }
0x15: {  	[smem:$0x3FB9] =	sst s0;
	s0 =	simm.s32 @!p2 $0x0  }
0x16: {  	s3 =	sld [smem:$0x3FDB];
	s0 =	simm.s32 @p2 $0x1  }
0x17: {  	s4 =	simm.s32 $0x1BF5;
	[smem:$0x3FBB] =	sst s0  }
0x18: {  	s0 =	sld [smem:$0x3F9E];
	_ =	swait.ge [sflag:s4], $0x0  }
0x19: {  	s7 =	sld [smem:$0x3F9F]  }
0x1a: {  	s8 =	sadd.s32 $0xFFFFE003, lr  }
0x1b: {  	s9 =	sadd.s32 $0xFFFFFEF7, lr;
	s5 =	simm.s32 $0xFFFFFFFF;
	p2 =	slt.u32 s8, $0xFFFFF086  }
0x1c: {  	p1 =	slt.u32 s9, $0xF7A;
	s5 =	simm.s32 @!p2 $0x0  }
0x1d: {  	s5 =	simm.s32 @p1 $0x1;
	p0 =	seq.s32 s7, s2  }
0x1e: {  	s7 =	smul.u32 @!p0 $0xF7A, s2;
	p2 =	seq.s32 @!p0 s5, $0x0  }
0x1f: {  	s9 =	smul.u32 $0xF7A, s1;
	s8 =	simm.s32 @!p0 $0x1BF5;
	p2 =	por !p2, p0  }
0x20: {  	[sflag:s8] =	ssyncset.s32 @!p0 $0xFFFFF086;
	s6 =	sadd.s32 @!p0 s3, s7;
	s7 =	simm.s32 @!p0 $0x108  }
0x21: {  	s3 =	sadd.s32 s3, s9;
	s6 =	sadd.s32 @!p0 $0x88, s6;
	s7 =	simm.s32 @p2 $0x1082  }
0x22: {  	[simem:s7], [sflag:s8] =	dma.local @!p0 [hbm:s6], $0xF7A  }
0x23: {  	s9 =	sor.u32 $0xD0000000, s2;
	s6 =	simm.s32 $0x108;
	_ =	swait.ge @!p0 [sflag:s8], $0x0  }
0x24: {  	s3 =	sadd.s32 $0x88, s3;
	s6 =	simm.s32 @!p1 $0x1082;
	[sflag:s4] =	ssyncset.s32 $0xFFFFF086  }
0x25: {  	[simem:s6], [sflag:s4] =	dma.local [hbm:s3], $0xF7A  }
0x26: {  	[smem:$0x3F9F] =	sst s1;
	(tag) =	ssettag s2;
	_ =	strace s9  }
0x27: {  	s1 =	sld [smem:$0x3FAF]  }
0x28: {  	s2 =	sld [smem:$0x3FB0]  }
0x29: {  	s4 =	sld [smem:$0x3FB2]  }
0x2a: {  	p0 =	seq.s32 s5, $0x0;
	s5 =	sld [smem:$0x3FB3]  }
0x2b: {  	s6 =	sld [smem:$0x3FB4]  }
0x2c: {  	s7 =	sld [smem:$0x3FB5]  }
0x2d: {  	s3 =	simm.s32 $0x108;
	s8 =	sld [smem:$0x3FB6]  }
0x2e: {  	s3 =	simm.s32 @!p0 $0x1082;
	s9 =	sld [smem:$0x3FB7]  }
0x2f: {  	lr =	sadd.s32 s0, s3;
	s0 =	sld [smem:$0x3FAE]  }
0x30: {  	s3 =	sld [smem:$0x3FB1]  }
0x31: {  	[smem:$0x3FBA] =	sst s10  }
0x32: {  	s10 =	sld [smem:$0x3FB8];
	_ =	sdelay $0x3  }
0x33: {  	p0 =	seq.s32 s10, $0x1;
	s10 =	sld [smem:$0x3FBA];
	_ =	sdelay $0x3  }
0x34: {  	[smem:$0x3FBA] =	sst s10  }
0x35: {  	s10 =	sld [smem:$0x3FB9];
	_ =	sdelay $0x3  }
0x36: {  	p1 =	seq.s32 s10, $0x1;
	s10 =	sld [smem:$0x3FBA];
	_ =	sdelay $0x3  }
0x37: {  	[smem:$0x3FBA] =	sst s10  }
0x38: {  	s10 =	sld [smem:$0x3FBB]  }
0x39: {  	_ = 	snop;
	(pc) =	sbr.ind lr, $3  }
0x3a: {  	_ = 	snop  }
0x3b: {  	_ = 	snop  }
0x3c: {  	p2 =	seq.s32 s10, $0x1;
	s10 =	sld [smem:$0x3FBA]  }
0x3d: {  	_ =	shalt  }
0x3e: {  	_ =	shalt  }
0x3f: {  	_ =	shalt  }
0x40: {  	_ =	shalt  }
0x41: {  	_ =	shalt  }
0x42: {  	_ =	shalt  }
0x43: {  	_ =	shalt  }
0x44: {  	_ =	shalt  }
0x45: {  	_ =	shalt  }
0x46: {  	_ =	shalt  }
0x47: {  	_ =	shalt  }
0x48: {  	_ =	shalt  }
0x49: {  	_ =	shalt  }
0x4a: {  	_ =	shalt  }
0x4b: {  	_ =	shalt  }
0x4c: {  	_ =	shalt  }
0x4d: {  	_ =	shalt  }
0x4e: {  	_ =	shalt  }
0x4f: {  	_ =	shalt  }
0x50: {  	_ =	shalt  }
0x51: {  	_ =	shalt  }
0x52: {  	_ =	shalt  }
0x53: {  	_ =	shalt  }
0x54: {  	_ =	shalt  }
0x55: {  	_ =	shalt  }
0x56: {  	_ =	shalt  }
0x57: {  	_ =	shalt  }
0x58: {  	_ =	shalt  }
0x59: {  	_ =	shalt  }
0x5a: {  	_ =	shalt  }
0x5b: {  	_ =	shalt  }
0x5c: {  	_ =	shalt  }
0x5d: {  	_ =	shalt  }
0x5e: {  	_ =	shalt  }
0x5f: {  	_ =	shalt  }
0x60: {  	_ =	shalt  }
0x61: {  	_ =	shalt  }
0x62: {  	_ =	shalt  }
0x63: {  	_ =	shalt  }
0x64: {  	_ =	shalt  }
0x65: {  	_ =	shalt  }
0x66: {  	_ =	shalt  }
0x67: {  	_ =	shalt  }
0x68: {  	_ =	shalt  }
0x69: {  	_ =	shalt  }
0x6a: {  	_ =	shalt  }
0x6b: {  	_ =	shalt  }
0x6c: {  	_ =	shalt  }
0x6d: {  	_ =	shalt  }
0x6e: {  	_ =	shalt  }
0x6f: {  	_ =	shalt  }
0x70: {  	_ =	shalt  }
0x71: {  	_ =	shalt  }
0x72: {  	_ =	shalt  }
0x73: {  	_ =	shalt  }
0x74: {  	_ =	shalt  }
0x75: {  	_ =	shalt  }
0x76: {  	_ =	shalt  }
0x77: {  	_ =	shalt  }
0x78: {  	_ =	shalt  }
0x79: {  	_ =	shalt  }
0x7a: {  	_ =	shalt  }
0x7b: {  	_ =	shalt  }
0x7c: {  	_ =	shalt  }
0x7d: {  	_ =	shalt  }
0x7e: {  	_ =	shalt  }
0x7f: {  	_ =	shalt  }
0x80: {  	_ =	shalt  }
0x81: {  	_ =	shalt  }
0x82: {  	_ =	shalt  }
0x83: {  	_ =	shalt  }
0x84: {  	_ =	shalt  }
0x85: {  	_ =	shalt  }
0x86: {  	_ =	shalt  }
0x87: {  	_ =	shalt  }
.Lfunc_end0:
.L_simem_size_0:
called_computation_lowered:
.L_overlay_start_0:
0x88: {  	s2 =	sld [smem:$0x3FD9]  }
0x89: {  	s3 =	sld [smem:$0x3FFE];
	_ =	sdelay $0x1  }
0x8a: {  	s1 =	srdreg.scid  }
0x8b: {  	s0 =	sand.u32 $0x1, s1  }
0x8c: {  	s17 =	sshll.u32 s0, $0xA;
	s2 =	sadd.s32 s3, s2  }
0x8d: {  	s2 =	sadd.s32 s2, s17  }
0x8e: {  	[smem:$0x3FC6] =	sst s2  }
0x8f: {  	_ = 	snop  }
0x90: {  	s2 =	sld [smem:$0x3FC8];
	(tm) =	ssettm $0x1  }
0x91: {  	s18 =	sld [smem:$0x3FFB];
	_ =	sdelay $0x3  }
0x92: {  	_ =	strace s18  }
0x93: {  	s3 =	sld [smem:$0x3FFC];
	_ =	sdelay $0x3  }
0x94: {  	_ =	strace s3  }
0x95: {  	s3 =	sld [smem:$0x3FFD];
	_ =	sdelay $0x3  }
0x96: {  	_ =	strace s3  }
0x97: {  	_ =	strace $0x8FFFFFFF  }
0x98: {  	s19 =	sld [smem:$0x3FDB];
	_ =	sdelay $0x1  }
0x99: {  	s4 =	simm.s32 $_scs_section_size  }
0x9a: {  	s5 =	simm.s32 $_size__tile_overlayer_lowered;
	s6 =	simm.s32 $_tile_overlayer_lowered  }
0x9b: {  	s22 =	simm.s32 $0x1BFF;
	s21 =	sshll.u32 s6, $0x1;
	s3 =	sadd.s32 s4, s19  }
0x9c: {  	s7 =	simm.s32 $0x0;
	s20 =	sshll.u32 s5, $0x1;
	s5 =	sadd.s32 s21, s3  }
0x9d: {  	[timem:s7], [sflag:s22] =	dma.local [hbm:s5], s20  }
0x9e: {  	_ =	swait.ge [sflag:s22], s20  }
0x9f: {  	s4 =	ssub.s32 $0x0, s20;
	[sflag:s22] =	ssyncset.done $0x0  }
0xa0: {  	[sflag:s22] =	ssyncadd.s32 s4;
	_ =	sdelay $0x1  }
0xa1: {  	s23 =	simm.s32 $0x1B8B  }
0xa2: {  	_ =	swait.ge [sflag:s23], $0x1  }
0xa3: {  	[sflag:s23] =	ssyncset.done $0x0  }
0xa4: {  	s25 =	simm.s32 $0x1B8E;
	s24 =	sld [smem:$0x3FFE];
	[sflag:s23] =	ssyncadd.s32 $0xFFFFFFFF  }
0xa5: {  	s26 =	simm.s32 $execute0_lowered;
	[smem:$0x3FD2] =	sst s25  }
0xa6: {  	s5 =	sshll.u32 s26, $0x1;
	_ =	strace $0x80000046;
	[dreg:$0x1] =	wrdreg $0xFFFFFFFF  }
0xa7: {  	s28 =	simm.s32 $_size_execute0_lowered;
	s3 =	sadd.s32 s3, s5;
	[dreg:$0x0] =	wrdreg $0x0  }
0xa8: {  	s5 =	sshll.u32 s28, $0x1;
	[dreg:$0x2] =	wrdreg s3  }
0xa9: {  	[dreg:$0x3] =	wrdreg s5  }
0xaa: {  	[dreg:$0x4] =	wrdreg $0xC0  }
0xab: {  	_ =	task [dreg:s7], $0x5FFFF  }
0xac: {  	[dreg:$0x1] =	wrdreg $0xFFFFFFFF  }
0xad: {  	[dreg:$0x0] =	wrdreg $0x60  }
0xae: {  	[dreg:$0x2] =	wrdreg s24  }
0xaf: {  	[dreg:$0x3] =	wrdreg s2  }
0xb0: {  	[dreg:$0x4] =	wrdreg $0x9  }
0xb1: {  	_ =	task.clear_ibuf [dreg:s7], $0x5FFFF;
	_ =	strace $0x90000046  }
0xb2: {  	s29 =	simm.s32 $0x9;
	_ =	strace $0x80000048  }
0xb3: {  	_ =	swait.ge [sflag:s29], $0x1  }
0xb4: {  	[sflag:s29] =	ssyncadd.s32 $0xFFFFFFFF  }
0xb5: {  	_ =	strace $0x90000048  }
0xb6: {  	_ =	sfence  }
0xb7: {  	s30 =	sld [smem:$0x0];
	_ =	sdelay $0x2  }
0xb8: {  	s31 =	sshll.u32 s1, $0xD;
	s1 =	sshrl.u32 s1, $0x2  }
0xb9: {  	s3 =	sand.u32 $0x4000, s31;
	s1 =	sadd.s32 s1, s30  }
0xba: {  	s0 =	sor.u32 s3, s0;
	s1 =	sshll.u32 s1, $0x11  }
0xbb: {  	s0 =	sor.u32 s1, s0  }
0xbc: {  	s0 =	sadd.s32 $0x8F2B, s0  }
0xbd: {  	[sflag:s0] =	ssyncadd.remote.s32 $0x1  }
0xbe: {  	_ =	sfence.sel $0xFFFF  }
0xbf: {  	[dreg:$0x0] =	wrdreg $0xFFFFFFFF;
	(pc) =	sbr.abs _section_cstart, $3  }
0xc0: {  	[dreg:$0x1] =	wrdreg $0xFFFFFFFF  }
0xc1: {  	_ =	task.clear_ibuf [dreg:s7], $0x2FFFF;
	_ =	strace $0x9FFFFFFF  }
0xc2: {  	(tm) =	ssettm $0x7FFFFFFF  }
0xc3: {  	_ =	shalt  }
tec
execute0_lowered:
.L_overlay_start_1:
0x0: {  	(tag) =	ssettag $0x1  }
0x1: {  	s5 =	rddreg [dreg:$0x0]  }
0x2: {  	s1 =	rddreg [dreg:$0x1]  }
0x3: {  	s0 =	rddreg [dreg:$0x2]  }
0x4: {  	s2 =	simm.s32 $0x0;
	s3 =	srdreg.scid;
	s9 =	simm.s32 $0x8000  }
0x5: {  	s10 =	simm.s32 $0x0;
	[smem:$0x7FF] =	sst s2;
	s6 =	sand.u32 $0x1, s3  }
0x6: {  	s4 =	sadd.s32 $0xC00, s5;
	s3 =	stileid.u32;
	s7 =	ssub.s32 $0x2, s6  }
0x7: {  	s5 =	sadd.s32 $0x40C00, s5;
	_ =	strace $0x80000047;
	s8 =	sshrl.u32 s7, $0x1  }
0x8: {  	s31 =	sshll.u32 s3, $0xE;
	s6 =	sshll.u32 s6, $0xD;
	s7 =	ssub.s32 s7, s8  }
0x9: {  	s6 =	sor.u32 s6, s31;
	s8 =	simm.s32 $0x1;
	s7 =	smax.u32 s7, $0x1  }
.LBB2_1:
0xa: {  	p1 =	por $0x1, $0x1;
	s11 =	simm.s32 $0x0  }
.LBB2_2:
0xb: {  	s11 =	sor.u32 s6, s11  }
0xc: {  	s12 =	simm.s32 $0x0;
	s13 =	sadd.s32 s1, s11  }
0xd: {  	[tilespmem:s12], [sflag:$0x1] =	stream.linear.gather [hbm4b:s13+s12], $0x8000, $0x38;
	[tilespmem:$0x10000] =	vst v63  }
0xe: {  	_ =	swait.ge [sflag:s8], $0x8000  }
0xf: {  	[sflag:s8] =	ssyncset.done $0x0  }
0x10: {  	s15 =	sadd.s32 s4, s11;
	[sflag:s8] =	ssyncadd.s32 $0xFFFF8000  }
0x11: {  	[tilespmem:s9], [sflag:$0x1] =	stream.linear.gather [hbm4b:s15+s12], $0x8000, $0x38;
	[tilespmem:$0x10000] =	vst v63  }
0x12: {  	s16 =	simm.s32 $0x0;
	_ =	swait.ge [sflag:s8], $0x8000  }
0x13: {  	s14 =	sand.u32 $0x380, s12;
	s13 =	sand.u32 $0x6000, s16;
	[sflag:s8] =	ssyncset.done $0x0  }
0x14: {  	s13 =	sor.u32 s14, s13;
	[sflag:s8] =	ssyncadd.s32 $0xFFFF8000  }
0x15: {  	v0 =	vld [tilespmem:s13+$0x0];
	_ =	sdelay $0x3  }
0x16: {  	s14 =	sor.u32 $0x8000, s13  }
0x17: {  	[tilespmem:s14+$0x0] =	vst.add.f32.msk $0xffff, v0  }
0x18: {  	v0 =	vld [tilespmem:s13+$0x10];
	_ =	sdelay $0x3  }
0x19: {  	s17 =	sor.u32 $0x8010, s13  }
0x1a: {  	[tilespmem:s17+$0x0] =	vst.add.f32.msk $0xffff, v0  }
0x1b: {  	v0 =	vld [tilespmem:s13+$0x20];
	_ =	sdelay $0x3  }
0x1c: {  	s18 =	sor.u32 $0x8020, s13  }
0x1d: {  	[tilespmem:s18+$0x0] =	vst.add.f32.msk $0xffff, v0  }
0x1e: {  	v0 =	vld [tilespmem:s13+$0x30];
	_ =	sdelay $0x3  }
0x1f: {  	s19 =	sor.u32 $0x8030, s13  }
0x20: {  	[tilespmem:s19+$0x0] =	vst.add.f32.msk $0xffff, v0  }
0x21: {  	v0 =	vld [tilespmem:s13+$0x40];
	_ =	sdelay $0x3  }
0x22: {  	s20 =	sor.u32 $0x8040, s13  }
0x23: {  	[tilespmem:s20+$0x0] =	vst.add.f32.msk $0xffff, v0  }
0x24: {  	v0 =	vld [tilespmem:s13+$0x50];
	_ =	sdelay $0x3  }
0x25: {  	s21 =	sor.u32 $0x8050, s13  }
0x26: {  	[tilespmem:s21+$0x0] =	vst.add.f32.msk $0xffff, v0  }
0x27: {  	v0 =	vld [tilespmem:s13+$0x60];
	_ =	sdelay $0x3  }
0x28: {  	s22 =	sor.u32 $0x8060, s13  }
0x29: {  	[tilespmem:s22+$0x0] =	vst.add.f32.msk $0xffff, v0  }
0x2a: {  	v0 =	vld [tilespmem:s13+$0x70];
	_ =	sdelay $0x3  }
0x2b: {  	s23 =	sor.u32 $0x8070, s13  }
0x2c: {  	[tilespmem:s23+$0x0] =	vst.add.f32.msk $0xffff, v0  }
0x2d: {  	v0 =	vld [tilespmem:s13+$0x400];
	_ =	sdelay $0x3  }
0x2e: {  	s24 =	sor.u32 $0x8400, s13  }
0x2f: {  	[tilespmem:s24+$0x0] =	vst.add.f32.msk $0xffff, v0  }
0x30: {  	v0 =	vld [tilespmem:s13+$0x410];
	_ =	sdelay $0x3  }
0x31: {  	s25 =	sor.u32 $0x8410, s13  }
0x32: {  	[tilespmem:s25+$0x0] =	vst.add.f32.msk $0xffff, v0  }
0x33: {  	v0 =	vld [tilespmem:s13+$0x420];
	_ =	sdelay $0x3  }
0x34: {  	s26 =	sor.u32 $0x8420, s13  }
0x35: {  	[tilespmem:s26+$0x0] =	vst.add.f32.msk $0xffff, v0  }
0x36: {  	v0 =	vld [tilespmem:s13+$0x430];
	_ =	sdelay $0x3  }
0x37: {  	s28 =	sor.u32 $0x8430, s13  }
0x38: {  	[tilespmem:s28+$0x0] =	vst.add.f32.msk $0xffff, v0  }
0x39: {  	v0 =	vld [tilespmem:s13+$0x440];
	_ =	sdelay $0x3  }
0x3a: {  	s29 =	sor.u32 $0x8440, s13  }
0x3b: {  	[tilespmem:s29+$0x0] =	vst.add.f32.msk $0xffff, v0  }
0x3c: {  	v0 =	vld [tilespmem:s13+$0x450];
	_ =	sdelay $0x3  }
0x3d: {  	s30 =	sor.u32 $0x8450, s13  }
0x3e: {  	[tilespmem:s30+$0x0] =	vst.add.f32.msk $0xffff, v0  }
0x3f: {  	v0 =	vld [tilespmem:s13+$0x460];
	_ =	sdelay $0x3  }
0x40: {  	s31 =	sor.u32 $0x8460, s13  }
0x41: {  	[tilespmem:s31+$0x0] =	vst.add.f32.msk $0xffff, v0  }
0x42: {  	v0 =	vld [tilespmem:s13+$0x470];
	_ =	sdelay $0x3  }
0x43: {  	s15 =	sor.u32 $0x8470, s13  }
0x44: {  	[tilespmem:s15+$0x0] =	vst.add.f32.msk $0xffff, v0  }
0x45: {  	v0 =	vld [tilespmem:s13+$0x800];
	_ =	sdelay $0x3  }
0x46: {  	s16 =	sor.u32 $0x8800, s13  }
0x47: {  	[tilespmem:s16+$0x0] =	vst.add.f32.msk $0xffff, v0  }
0x48: {  	v0 =	vld [tilespmem:s13+$0x810];
	_ =	sdelay $0x3  }
0x49: {  	s17 =	sor.u32 $0x8810, s13  }
0x4a: {  	[tilespmem:s17+$0x0] =	vst.add.f32.msk $0xffff, v0  }
0x4b: {  	v0 =	vld [tilespmem:s13+$0x820];
	_ =	sdelay $0x3  }
0x4c: {  	s18 =	sor.u32 $0x8820, s13  }
0x4d: {  	[tilespmem:s18+$0x0] =	vst.add.f32.msk $0xffff, v0  }
0x4e: {  	v0 =	vld [tilespmem:s13+$0x830];
	_ =	sdelay $0x3  }
0x4f: {  	s19 =	sor.u32 $0x8830, s13  }
0x50: {  	[tilespmem:s19+$0x0] =	vst.add.f32.msk $0xffff, v0  }
0x51: {  	v0 =	vld [tilespmem:s13+$0x840];
	_ =	sdelay $0x3  }
0x52: {  	s20 =	sor.u32 $0x8840, s13  }
0x53: {  	[tilespmem:s20+$0x0] =	vst.add.f32.msk $0xffff, v0  }
0x54: {  	v0 =	vld [tilespmem:s13+$0x850];
	_ =	sdelay $0x3  }
0x55: {  	s21 =	sor.u32 $0x8850, s13  }
0x56: {  	[tilespmem:s21+$0x0] =	vst.add.f32.msk $0xffff, v0  }
0x57: {  	v0 =	vld [tilespmem:s13+$0x860];
	_ =	sdelay $0x3  }
0x58: {  	s22 =	sor.u32 $0x8860, s13  }
0x59: {  	[tilespmem:s22+$0x0] =	vst.add.f32.msk $0xffff, v0  }
0x5a: {  	v0 =	vld [tilespmem:s13+$0x870];
	_ =	sdelay $0x3  }
0x5b: {  	s23 =	sor.u32 $0x8870, s13  }
0x5c: {  	[tilespmem:s23+$0x0] =	vst.add.f32.msk $0xffff, v0  }
0x5d: {  	v0 =	vld [tilespmem:s13+$0xC00];
	_ =	sdelay $0x3  }
0x5e: {  	s24 =	sor.u32 $0x8C00, s13  }
0x5f: {  	[tilespmem:s24+$0x0] =	vst.add.f32.msk $0xffff, v0  }
0x60: {  	v0 =	vld [tilespmem:s13+$0xC10];
	_ =	sdelay $0x3  }
0x61: {  	s25 =	sor.u32 $0x8C10, s13  }
0x62: {  	[tilespmem:s25+$0x0] =	vst.add.f32.msk $0xffff, v0  }
0x63: {  	v0 =	vld [tilespmem:s13+$0xC20];
	_ =	sdelay $0x3  }
0x64: {  	s26 =	sor.u32 $0x8C20, s13  }
0x65: {  	[tilespmem:s26+$0x0] =	vst.add.f32.msk $0xffff, v0  }
0x66: {  	v0 =	vld [tilespmem:s13+$0xC30];
	_ =	sdelay $0x3  }
0x67: {  	s28 =	sor.u32 $0x8C30, s13  }
0x68: {  	[tilespmem:s28+$0x0] =	vst.add.f32.msk $0xffff, v0  }
0x69: {  	v0 =	vld [tilespmem:s13+$0xC40];
	_ =	sdelay $0x3  }
0x6a: {  	s29 =	sor.u32 $0x8C40, s13  }
0x6b: {  	[tilespmem:s29+$0x0] =	vst.add.f32.msk $0xffff, v0  }
0x6c: {  	v0 =	vld [tilespmem:s13+$0xC50];
	_ =	sdelay $0x3  }
0x6d: {  	s30 =	sor.u32 $0x8C50, s13  }
0x6e: {  	[tilespmem:s30+$0x0] =	vst.add.f32.msk $0xffff, v0  }
0x6f: {  	v0 =	vld [tilespmem:s13+$0xC60];
	_ =	sdelay $0x3  }
0x70: {  	s31 =	sor.u32 $0x8C60, s13  }
0x71: {  	[tilespmem:s31+$0x0] =	vst.add.f32.msk $0xffff, v0  }
0x72: {  	v0 =	vld [tilespmem:s13+$0xC70];
	_ =	sdelay $0x3  }
0x73: {  	s15 =	sor.u32 $0x8C70, s13  }
0x74: {  	[tilespmem:s15+$0x0] =	vst.add.f32.msk $0xffff, v0  }
0x75: {  	v0 =	vld [tilespmem:s13+$0x1000];
	_ =	sdelay $0x3  }
0x76: {  	s16 =	sor.u32 $0x9000, s13  }
0x77: {  	[tilespmem:s16+$0x0] =	vst.add.f32.msk $0xffff, v0  }
0x78: {  	v0 =	vld [tilespmem:s13+$0x1010];
	_ =	sdelay $0x3  }
0x79: {  	s17 =	sor.u32 $0x9010, s13  }
0x7a: {  	[tilespmem:s17+$0x0] =	vst.add.f32.msk $0xffff, v0  }
0x7b: {  	v0 =	vld [tilespmem:s13+$0x1020];
	_ =	sdelay $0x3  }
0x7c: {  	s18 =	sor.u32 $0x9020, s13  }
0x7d: {  	[tilespmem:s18+$0x0] =	vst.add.f32.msk $0xffff, v0  }
0x7e: {  	v0 =	vld [tilespmem:s13+$0x1030];
	_ =	sdelay $0x3  }
0x7f: {  	s19 =	sor.u32 $0x9030, s13  }
0x80: {  	[tilespmem:s19+$0x0] =	vst.add.f32.msk $0xffff, v0  }
0x81: {  	v0 =	vld [tilespmem:s13+$0x1040];
	_ =	sdelay $0x3  }
0x82: {  	s20 =	sor.u32 $0x9040, s13  }
0x83: {  	[tilespmem:s20+$0x0] =	vst.add.f32.msk $0xffff, v0  }
0x84: {  	v0 =	vld [tilespmem:s13+$0x1050];
	_ =	sdelay $0x3  }
0x85: {  	s21 =	sor.u32 $0x9050, s13  }
0x86: {  	[tilespmem:s21+$0x0] =	vst.add.f32.msk $0xffff, v0  }
0x87: {  	v0 =	vld [tilespmem:s13+$0x1060];
	_ =	sdelay $0x3  }
0x88: {  	s22 =	sor.u32 $0x9060, s13  }
0x89: {  	[tilespmem:s22+$0x0] =	vst.add.f32.msk $0xffff, v0  }
0x8a: {  	v0 =	vld [tilespmem:s13+$0x1070];
	_ =	sdelay $0x3  }
0x8b: {  	s23 =	sor.u32 $0x9070, s13  }
0x8c: {  	[tilespmem:s23+$0x0] =	vst.add.f32.msk $0xffff, v0  }
0x8d: {  	v0 =	vld [tilespmem:s13+$0x1400];
	_ =	sdelay $0x3  }
0x8e: {  	s24 =	sor.u32 $0x9400, s13  }
0x8f: {  	[tilespmem:s24+$0x0] =	vst.add.f32.msk $0xffff, v0  }
0x90: {  	v0 =	vld [tilespmem:s13+$0x1410];
	_ =	sdelay $0x3  }
0x91: {  	s25 =	sor.u32 $0x9410, s13  }
0x92: {  	[tilespmem:s25+$0x0] =	vst.add.f32.msk $0xffff, v0  }
0x93: {  	v0 =	vld [tilespmem:s13+$0x1420];
	_ =	sdelay $0x3  }
0x94: {  	s26 =	sor.u32 $0x9420, s13  }
0x95: {  	[tilespmem:s26+$0x0] =	vst.add.f32.msk $0xffff, v0  }
0x96: {  	v0 =	vld [tilespmem:s13+$0x1430];
	_ =	sdelay $0x3  }
0x97: {  	s28 =	sor.u32 $0x9430, s13  }
0x98: {  	[tilespmem:s28+$0x0] =	vst.add.f32.msk $0xffff, v0  }
0x99: {  	v0 =	vld [tilespmem:s13+$0x1440];
	_ =	sdelay $0x3  }
0x9a: {  	s29 =	sor.u32 $0x9440, s13  }
0x9b: {  	[tilespmem:s29+$0x0] =	vst.add.f32.msk $0xffff, v0  }
0x9c: {  	v0 =	vld [tilespmem:s13+$0x1450];
	_ =	sdelay $0x3  }
0x9d: {  	s30 =	sor.u32 $0x9450, s13  }
0x9e: {  	[tilespmem:s30+$0x0] =	vst.add.f32.msk $0xffff, v0  }
0x9f: {  	v0 =	vld [tilespmem:s13+$0x1460];
	_ =	sdelay $0x3  }
0xa0: {  	s31 =	sor.u32 $0x9460, s13  }
0xa1: {  	[tilespmem:s31+$0x0] =	vst.add.f32.msk $0xffff, v0  }
0xa2: {  	v0 =	vld [tilespmem:s13+$0x1470];
	_ =	sdelay $0x3  }
0xa3: {  	s15 =	sor.u32 $0x9470, s13  }
0xa4: {  	[tilespmem:s15+$0x0] =	vst.add.f32.msk $0xffff, v0  }
0xa5: {  	v0 =	vld [tilespmem:s13+$0x1800];
	_ =	sdelay $0x3  }
0xa6: {  	s16 =	sor.u32 $0x9800, s13  }
0xa7: {  	[tilespmem:s16+$0x0] =	vst.add.f32.msk $0xffff, v0  }
0xa8: {  	v0 =	vld [tilespmem:s13+$0x1810];
	_ =	sdelay $0x3  }
0xa9: {  	s17 =	sor.u32 $0x9810, s13  }
0xaa: {  	[tilespmem:s17+$0x0] =	vst.add.f32.msk $0xffff, v0  }
0xab: {  	v0 =	vld [tilespmem:s13+$0x1820];
	_ =	sdelay $0x3  }
0xac: {  	s18 =	sor.u32 $0x9820, s13  }
0xad: {  	[tilespmem:s18+$0x0] =	vst.add.f32.msk $0xffff, v0  }
0xae: {  	v0 =	vld [tilespmem:s13+$0x1830];
	_ =	sdelay $0x3  }
0xaf: {  	s19 =	sor.u32 $0x9830, s13  }
0xb0: {  	[tilespmem:s19+$0x0] =	vst.add.f32.msk $0xffff, v0  }
0xb1: {  	v0 =	vld [tilespmem:s13+$0x1840];
	_ =	sdelay $0x3  }
0xb2: {  	s20 =	sor.u32 $0x9840, s13  }
0xb3: {  	[tilespmem:s20+$0x0] =	vst.add.f32.msk $0xffff, v0  }
0xb4: {  	v0 =	vld [tilespmem:s13+$0x1850];
	_ =	sdelay $0x3  }
0xb5: {  	s21 =	sor.u32 $0x9850, s13  }
0xb6: {  	[tilespmem:s21+$0x0] =	vst.add.f32.msk $0xffff, v0  }
0xb7: {  	v0 =	vld [tilespmem:s13+$0x1860];
	_ =	sdelay $0x3  }
0xb8: {  	s22 =	sor.u32 $0x9860, s13  }
0xb9: {  	[tilespmem:s22+$0x0] =	vst.add.f32.msk $0xffff, v0  }
0xba: {  	v0 =	vld [tilespmem:s13+$0x1870];
	_ =	sdelay $0x1  }
0xbb: {  	s23 =	sand.u32 $0x7, s12  }
0xbc: {  	s14 =	sshll.u32 s23, $0x7  }
0xbd: {  	s15 =	sadd.s32 $0x0, s14;
	s13 =	sor.u32 $0x9870, s13  }
0xbe: {  	s24 =	sor.u32 $0x1C00, s15;
	[tilespmem:s13+$0x0] =	vst.add.f32.msk $0xffff, v0  }
0xbf: {  	v0 =	vld [tilespmem:s24+$0x0];
	_ =	sdelay $0x4  }
0xc0: {  	s25 =	sor.u32 $0x1C10, s15;
	[tilespmem:s24+$0x8000] =	vst.add.f32.msk $0xffff, v0  }
0xc1: {  	v0 =	vld [tilespmem:s25+$0x0];
	_ =	sdelay $0x4  }
0xc2: {  	s26 =	sor.u32 $0x1C20, s15;
	[tilespmem:s25+$0x8000] =	vst.add.f32.msk $0xffff, v0  }
0xc3: {  	v0 =	vld [tilespmem:s26+$0x0];
	_ =	sdelay $0x4  }
0xc4: {  	s28 =	sor.u32 $0x1C30, s15;
	[tilespmem:s26+$0x8000] =	vst.add.f32.msk $0xffff, v0  }
0xc5: {  	v0 =	vld [tilespmem:s28+$0x0];
	_ =	sdelay $0x4  }
0xc6: {  	s29 =	sor.u32 $0x1C40, s15;
	[tilespmem:s28+$0x8000] =	vst.add.f32.msk $0xffff, v0  }
0xc7: {  	v0 =	vld [tilespmem:s29+$0x0];
	_ =	sdelay $0x4  }
0xc8: {  	s30 =	sor.u32 $0x1C50, s15;
	[tilespmem:s29+$0x8000] =	vst.add.f32.msk $0xffff, v0  }
0xc9: {  	v0 =	vld [tilespmem:s30+$0x0];
	_ =	sdelay $0x4  }
0xca: {  	s31 =	sor.u32 $0x1C60, s15;
	[tilespmem:s30+$0x8000] =	vst.add.f32.msk $0xffff, v0  }
0xcb: {  	v0 =	vld [tilespmem:s31+$0x0];
	_ =	sdelay $0x4  }
0xcc: {  	s18 =	sor.u32 $0x1C70, s15;
	[tilespmem:s31+$0x8000] =	vst.add.f32.msk $0xffff, v0  }
0xcd: {  	v0 =	vld [tilespmem:s18+$0x0];
	_ =	sdelay $0x1  }
0xce: {  	p0 =	por p1, p1;
	s14 =	simm.s32 $0x80;
	s16 =	simm.s32 $0x100  }
0xcf: {  	s17 =	simm.s32 $0x400;
	s15 =	simm.s32 $0xFFFF8400;
	s13 =	simm.s32 $0x0  }
.LBB2_3:
0xd0: {  	p1 =	sne.s32 s16, $0xF80;
	s17 =	sand.u32 $0x6000, s17;
	s14 =	sand.u32 $0x380, s14  }
0xd1: {  	s17 =	sor.u32 s14, s17;
	[tilespmem:s18+$0x8000] =	vst.add.f32.msk $0xffff, v0;
	s14 =	smov.u32 s16  }
0xd2: {  	v0 =	vld [tilespmem:s17+$0x0];
	_ =	sdelay $0x3  }
0xd3: {  	s18 =	sor.u32 $0x8000, s17  }
0xd4: {  	[tilespmem:s18+$0x0] =	vst.add.f32.msk $0xffff, v0  }
0xd5: {  	v0 =	vld [tilespmem:s17+$0x10];
	_ =	sdelay $0x3  }
0xd6: {  	s18 =	sor.u32 $0x8010, s17  }
0xd7: {  	[tilespmem:s18+$0x0] =	vst.add.f32.msk $0xffff, v0  }
0xd8: {  	v0 =	vld [tilespmem:s17+$0x20];
	_ =	sdelay $0x3  }
0xd9: {  	s18 =	sor.u32 $0x8020, s17  }
0xda: {  	[tilespmem:s18+$0x0] =	vst.add.f32.msk $0xffff, v0  }
0xdb: {  	v0 =	vld [tilespmem:s17+$0x30];
	_ =	sdelay $0x3  }
0xdc: {  	s18 =	sor.u32 $0x8030, s17  }
0xdd: {  	[tilespmem:s18+$0x0] =	vst.add.f32.msk $0xffff, v0  }
0xde: {  	v0 =	vld [tilespmem:s17+$0x40];
	_ =	sdelay $0x3  }
0xdf: {  	s18 =	sor.u32 $0x8040, s17  }
0xe0: {  	[tilespmem:s18+$0x0] =	vst.add.f32.msk $0xffff, v0  }
0xe1: {  	v0 =	vld [tilespmem:s17+$0x50];
	_ =	sdelay $0x3  }
0xe2: {  	s18 =	sor.u32 $0x8050, s17  }
0xe3: {  	[tilespmem:s18+$0x0] =	vst.add.f32.msk $0xffff, v0  }
0xe4: {  	v0 =	vld [tilespmem:s17+$0x60];
	_ =	sdelay $0x3  }
0xe5: {  	s18 =	sor.u32 $0x8060, s17  }
0xe6: {  	[tilespmem:s18+$0x0] =	vst.add.f32.msk $0xffff, v0  }
0xe7: {  	v0 =	vld [tilespmem:s17+$0x70];
	_ =	sdelay $0x3  }
0xe8: {  	s18 =	sor.u32 $0x8070, s17  }
0xe9: {  	[tilespmem:s18+$0x0] =	vst.add.f32.msk $0xffff, v0  }
0xea: {  	v0 =	vld [tilespmem:s17+$0x400];
	_ =	sdelay $0x3  }
0xeb: {  	s18 =	sor.u32 $0x8400, s17  }
0xec: {  	[tilespmem:s18+$0x0] =	vst.add.f32.msk $0xffff, v0  }
0xed: {  	v0 =	vld [tilespmem:s17+$0x410];
	_ =	sdelay $0x3  }
0xee: {  	s18 =	sor.u32 $0x8410, s17  }
0xef: {  	[tilespmem:s18+$0x0] =	vst.add.f32.msk $0xffff, v0  }
0xf0: {  	v0 =	vld [tilespmem:s17+$0x420];
	_ =	sdelay $0x3  }
0xf1: {  	s18 =	sor.u32 $0x8420, s17  }
0xf2: {  	[tilespmem:s18+$0x0] =	vst.add.f32.msk $0xffff, v0  }
0xf3: {  	v0 =	vld [tilespmem:s17+$0x430];
	_ =	sdelay $0x3  }
0xf4: {  	s18 =	sor.u32 $0x8430, s17  }
0xf5: {  	[tilespmem:s18+$0x0] =	vst.add.f32.msk $0xffff, v0  }
0xf6: {  	v0 =	vld [tilespmem:s17+$0x440];
	_ =	sdelay $0x3  }
0xf7: {  	s18 =	sor.u32 $0x8440, s17  }
0xf8: {  	[tilespmem:s18+$0x0] =	vst.add.f32.msk $0xffff, v0  }
0xf9: {  	v0 =	vld [tilespmem:s17+$0x450];
	_ =	sdelay $0x3  }
0xfa: {  	s18 =	sor.u32 $0x8450, s17  }
0xfb: {  	[tilespmem:s18+$0x0] =	vst.add.f32.msk $0xffff, v0  }
0xfc: {  	v0 =	vld [tilespmem:s17+$0x460];
	_ =	sdelay $0x3  }
0xfd: {  	s18 =	sor.u32 $0x8460, s17  }
0xfe: {  	[tilespmem:s18+$0x0] =	vst.add.f32.msk $0xffff, v0  }
0xff: {  	v0 =	vld [tilespmem:s17+$0x470];
	_ =	sdelay $0x3  }
0x100: {  	s18 =	sor.u32 $0x8470, s17  }
0x101: {  	[tilespmem:s18+$0x0] =	vst.add.f32.msk $0xffff, v0  }
0x102: {  	v0 =	vld [tilespmem:s17+$0x800];
	_ =	sdelay $0x3  }
0x103: {  	s18 =	sor.u32 $0x8800, s17  }
0x104: {  	[tilespmem:s18+$0x0] =	vst.add.f32.msk $0xffff, v0  }
0x105: {  	v0 =	vld [tilespmem:s17+$0x810];
	_ =	sdelay $0x3  }
0x106: {  	s18 =	sor.u32 $0x8810, s17  }
0x107: {  	[tilespmem:s18+$0x0] =	vst.add.f32.msk $0xffff, v0  }
0x108: {  	v0 =	vld [tilespmem:s17+$0x820];
	_ =	sdelay $0x3  }
0x109: {  	s18 =	sor.u32 $0x8820, s17  }
0x10a: {  	[tilespmem:s18+$0x0] =	vst.add.f32.msk $0xffff, v0  }
0x10b: {  	v0 =	vld [tilespmem:s17+$0x830];
	_ =	sdelay $0x3  }
0x10c: {  	s18 =	sor.u32 $0x8830, s17  }
0x10d: {  	[tilespmem:s18+$0x0] =	vst.add.f32.msk $0xffff, v0  }
0x10e: {  	v0 =	vld [tilespmem:s17+$0x840];
	_ =	sdelay $0x3  }
0x10f: {  	s18 =	sor.u32 $0x8840, s17  }
0x110: {  	[tilespmem:s18+$0x0] =	vst.add.f32.msk $0xffff, v0  }
0x111: {  	v0 =	vld [tilespmem:s17+$0x850];
	_ =	sdelay $0x3  }
0x112: {  	s18 =	sor.u32 $0x8850, s17  }
0x113: {  	[tilespmem:s18+$0x0] =	vst.add.f32.msk $0xffff, v0  }
0x114: {  	v0 =	vld [tilespmem:s17+$0x860];
	_ =	sdelay $0x3  }
0x115: {  	s18 =	sor.u32 $0x8860, s17  }
0x116: {  	[tilespmem:s18+$0x0] =	vst.add.f32.msk $0xffff, v0  }
0x117: {  	v0 =	vld [tilespmem:s17+$0x870];
	_ =	sdelay $0x3  }
0x118: {  	s18 =	sor.u32 $0x8870, s17  }
0x119: {  	[tilespmem:s18+$0x0] =	vst.add.f32.msk $0xffff, v0  }
0x11a: {  	v0 =	vld [tilespmem:s17+$0xC00];
	_ =	sdelay $0x3  }
0x11b: {  	s18 =	sor.u32 $0x8C00, s17  }
0x11c: {  	[tilespmem:s18+$0x0] =	vst.add.f32.msk $0xffff, v0  }
0x11d: {  	v0 =	vld [tilespmem:s17+$0xC10];
	_ =	sdelay $0x3  }
0x11e: {  	s18 =	sor.u32 $0x8C10, s17  }
0x11f: {  	[tilespmem:s18+$0x0] =	vst.add.f32.msk $0xffff, v0  }
0x120: {  	v0 =	vld [tilespmem:s17+$0xC20];
	_ =	sdelay $0x3  }
0x121: {  	s18 =	sor.u32 $0x8C20, s17  }
0x122: {  	[tilespmem:s18+$0x0] =	vst.add.f32.msk $0xffff, v0  }
0x123: {  	v0 =	vld [tilespmem:s17+$0xC30];
	_ =	sdelay $0x3  }
0x124: {  	s18 =	sor.u32 $0x8C30, s17  }
0x125: {  	[tilespmem:s18+$0x0] =	vst.add.f32.msk $0xffff, v0  }
0x126: {  	v0 =	vld [tilespmem:s17+$0xC40];
	_ =	sdelay $0x3  }
0x127: {  	s18 =	sor.u32 $0x8C40, s17  }
0x128: {  	[tilespmem:s18+$0x0] =	vst.add.f32.msk $0xffff, v0  }
0x129: {  	v0 =	vld [tilespmem:s17+$0xC50];
	_ =	sdelay $0x3  }
0x12a: {  	s18 =	sor.u32 $0x8C50, s17  }
0x12b: {  	[tilespmem:s18+$0x0] =	vst.add.f32.msk $0xffff, v0  }
0x12c: {  	v0 =	vld [tilespmem:s17+$0xC60];
	_ =	sdelay $0x3  }
0x12d: {  	s18 =	sor.u32 $0x8C60, s17  }
0x12e: {  	[tilespmem:s18+$0x0] =	vst.add.f32.msk $0xffff, v0  }
0x12f: {  	v0 =	vld [tilespmem:s17+$0xC70];
	_ =	sdelay $0x3  }
0x130: {  	s18 =	sor.u32 $0x8C70, s17  }
0x131: {  	[tilespmem:s18+$0x0] =	vst.add.f32.msk $0xffff, v0  }
0x132: {  	v0 =	vld [tilespmem:s17+$0x1000];
	_ =	sdelay $0x3  }
0x133: {  	s18 =	sor.u32 $0x9000, s17  }
0x134: {  	[tilespmem:s18+$0x0] =	vst.add.f32.msk $0xffff, v0  }
0x135: {  	v0 =	vld [tilespmem:s17+$0x1010];
	_ =	sdelay $0x3  }
0x136: {  	s18 =	sor.u32 $0x9010, s17  }
0x137: {  	[tilespmem:s18+$0x0] =	vst.add.f32.msk $0xffff, v0  }
0x138: {  	v0 =	vld [tilespmem:s17+$0x1020];
	_ =	sdelay $0x3  }
0x139: {  	s18 =	sor.u32 $0x9020, s17  }
0x13a: {  	[tilespmem:s18+$0x0] =	vst.add.f32.msk $0xffff, v0  }
0x13b: {  	v0 =	vld [tilespmem:s17+$0x1030];
	_ =	sdelay $0x3  }
0x13c: {  	s18 =	sor.u32 $0x9030, s17  }
0x13d: {  	[tilespmem:s18+$0x0] =	vst.add.f32.msk $0xffff, v0  }
0x13e: {  	v0 =	vld [tilespmem:s17+$0x1040];
	_ =	sdelay $0x3  }
0x13f: {  	s18 =	sor.u32 $0x9040, s17  }
0x140: {  	[tilespmem:s18+$0x0] =	vst.add.f32.msk $0xffff, v0  }
0x141: {  	v0 =	vld [tilespmem:s17+$0x1050];
	_ =	sdelay $0x3  }
0x142: {  	s18 =	sor.u32 $0x9050, s17  }
0x143: {  	[tilespmem:s18+$0x0] =	vst.add.f32.msk $0xffff, v0  }
0x144: {  	v0 =	vld [tilespmem:s17+$0x1060];
	_ =	sdelay $0x3  }
0x145: {  	s18 =	sor.u32 $0x9060, s17  }
0x146: {  	[tilespmem:s18+$0x0] =	vst.add.f32.msk $0xffff, v0  }
0x147: {  	v0 =	vld [tilespmem:s17+$0x1070];
	_ =	sdelay $0x3  }
0x148: {  	s18 =	sor.u32 $0x9070, s17  }
0x149: {  	[tilespmem:s18+$0x0] =	vst.add.f32.msk $0xffff, v0  }
0x14a: {  	v0 =	vld [tilespmem:s17+$0x1400];
	_ =	sdelay $0x3  }
0x14b: {  	s18 =	sor.u32 $0x9400, s17  }
0x14c: {  	[tilespmem:s18+$0x0] =	vst.add.f32.msk $0xffff, v0  }
0x14d: {  	v0 =	vld [tilespmem:s17+$0x1410];
	_ =	sdelay $0x3  }
0x14e: {  	s18 =	sor.u32 $0x9410, s17  }
0x14f: {  	[tilespmem:s18+$0x0] =	vst.add.f32.msk $0xffff, v0  }
0x150: {  	v0 =	vld [tilespmem:s17+$0x1420];
	_ =	sdelay $0x3  }
0x151: {  	s18 =	sor.u32 $0x9420, s17  }
0x152: {  	[tilespmem:s18+$0x0] =	vst.add.f32.msk $0xffff, v0  }
0x153: {  	v0 =	vld [tilespmem:s17+$0x1430];
	_ =	sdelay $0x3  }
0x154: {  	s18 =	sor.u32 $0x9430, s17  }
0x155: {  	[tilespmem:s18+$0x0] =	vst.add.f32.msk $0xffff, v0  }
0x156: {  	v0 =	vld [tilespmem:s17+$0x1440];
	_ =	sdelay $0x3  }
0x157: {  	s18 =	sor.u32 $0x9440, s17  }
0x158: {  	[tilespmem:s18+$0x0] =	vst.add.f32.msk $0xffff, v0  }
0x159: {  	v0 =	vld [tilespmem:s17+$0x1450];
	_ =	sdelay $0x3  }
0x15a: {  	s18 =	sor.u32 $0x9450, s17  }
0x15b: {  	[tilespmem:s18+$0x0] =	vst.add.f32.msk $0xffff, v0  }
0x15c: {  	v0 =	vld [tilespmem:s17+$0x1460];
	_ =	sdelay $0x3  }
0x15d: {  	s18 =	sor.u32 $0x9460, s17  }
0x15e: {  	[tilespmem:s18+$0x0] =	vst.add.f32.msk $0xffff, v0  }
0x15f: {  	v0 =	vld [tilespmem:s17+$0x1470];
	_ =	sdelay $0x3  }
0x160: {  	s18 =	sor.u32 $0x9470, s17  }
0x161: {  	[tilespmem:s18+$0x0] =	vst.add.f32.msk $0xffff, v0  }
0x162: {  	v0 =	vld [tilespmem:s17+$0x1800];
	_ =	sdelay $0x3  }
0x163: {  	s18 =	sor.u32 $0x9800, s17  }
0x164: {  	[tilespmem:s18+$0x0] =	vst.add.f32.msk $0xffff, v0  }
0x165: {  	v0 =	vld [tilespmem:s17+$0x1810];
	_ =	sdelay $0x3  }
0x166: {  	s18 =	sor.u32 $0x9810, s17  }
0x167: {  	[tilespmem:s18+$0x0] =	vst.add.f32.msk $0xffff, v0  }
0x168: {  	v0 =	vld [tilespmem:s17+$0x1820];
	_ =	sdelay $0x3  }
0x169: {  	s18 =	sor.u32 $0x9820, s17  }
0x16a: {  	[tilespmem:s18+$0x0] =	vst.add.f32.msk $0xffff, v0  }
0x16b: {  	v0 =	vld [tilespmem:s17+$0x1830];
	_ =	sdelay $0x3  }
0x16c: {  	s18 =	sor.u32 $0x9830, s17  }
0x16d: {  	[tilespmem:s18+$0x0] =	vst.add.f32.msk $0xffff, v0  }
0x16e: {  	v0 =	vld [tilespmem:s17+$0x1840];
	_ =	sdelay $0x3  }
0x16f: {  	s18 =	sor.u32 $0x9840, s17  }
0x170: {  	[tilespmem:s18+$0x0] =	vst.add.f32.msk $0xffff, v0  }
0x171: {  	v0 =	vld [tilespmem:s17+$0x1850];
	_ =	sdelay $0x3  }
0x172: {  	s18 =	sor.u32 $0x9850, s17  }
0x173: {  	[tilespmem:s18+$0x0] =	vst.add.f32.msk $0xffff, v0  }
0x174: {  	v0 =	vld [tilespmem:s17+$0x1860];
	_ =	sdelay $0x3  }
0x175: {  	s18 =	sor.u32 $0x9860, s17  }
0x176: {  	[tilespmem:s18+$0x0] =	vst.add.f32.msk $0xffff, v0  }
0x177: {  	v0 =	vld [tilespmem:s17+$0x1870]  }
0x178: {  	s12 =	sadd.s32 $0x1, s12  }
0x179: {  	s18 =	sand.u32 $0x7, s12  }
0x17a: {  	s13 =	sadd.s32 $0x400, s13;
	s18 =	sshll.u32 s18, $0x7  }
0x17b: {  	s17 =	sor.u32 $0x9870, s17;
	s18 =	sadd.s32 s18, s13  }
0x17c: {  	[tilespmem:s17+$0x0] =	vst.add.f32.msk $0xffff, v0;
	s17 =	sor.u32 $0x1C00, s18  }
0x17d: {  	v0 =	vld [tilespmem:s17+$0x0];
	_ =	sdelay $0x4  }
0x17e: {  	[tilespmem:s17+$0x8000] =	vst.add.f32.msk $0xffff, v0;
	s17 =	sor.u32 $0x1C10, s18  }
0x17f: {  	v0 =	vld [tilespmem:s17+$0x0];
	_ =	sdelay $0x4  }
0x180: {  	[tilespmem:s17+$0x8000] =	vst.add.f32.msk $0xffff, v0;
	s17 =	sor.u32 $0x1C20, s18  }
0x181: {  	v0 =	vld [tilespmem:s17+$0x0];
	_ =	sdelay $0x4  }
0x182: {  	[tilespmem:s17+$0x8000] =	vst.add.f32.msk $0xffff, v0;
	s17 =	sor.u32 $0x1C30, s18  }
0x183: {  	v0 =	vld [tilespmem:s17+$0x0];
	_ =	sdelay $0x4  }
0x184: {  	[tilespmem:s17+$0x8000] =	vst.add.f32.msk $0xffff, v0;
	s17 =	sor.u32 $0x1C40, s18  }
0x185: {  	v0 =	vld [tilespmem:s17+$0x0];
	_ =	sdelay $0x4  }
0x186: {  	[tilespmem:s17+$0x8000] =	vst.add.f32.msk $0xffff, v0;
	s17 =	sor.u32 $0x1C50, s18  }
0x187: {  	v0 =	vld [tilespmem:s17+$0x0];
	_ =	sdelay $0x4  }
0x188: {  	[tilespmem:s17+$0x8000] =	vst.add.f32.msk $0xffff, v0;
	s17 =	sor.u32 $0x1C60, s18  }
0x189: {  	v0 =	vld [tilespmem:s17+$0x0];
	_ =	sdelay $0x4  }
.Ltmp0:
0x18a: {  	s18 =	sor.u32 $0x1C70, s18;
	[tilespmem:s17+$0x8000] =	vst.add.f32.msk $0xffff, v0;
	(pc) =	sbr.rel @p1 .LBB2_3-.Ltmp0, $3  }
0x18b: {  	v0 =	vld [tilespmem:s18+$0x0];
	_ =	sdelay $0x1  }
0x18c: {  	s15 =	sadd.s32 $0x400, s15  }
0x18d: {  	s16 =	sadd.s32 $0x80, s16;
	s17 =	sadd.s32 $0x8000, s15  }
0x18e: {  	s15 =	sand.u32 $0x6000, s17;
	s14 =	sand.u32 $0x380, s14  }
0x18f: {  	s14 =	sor.u32 s14, s15;
	[tilespmem:s18+$0x8000] =	vst.add.f32.msk $0xffff, v0  }
0x190: {  	v0 =	vld [tilespmem:s14+$0x0];
	_ =	sdelay $0x3  }
0x191: {  	s15 =	sor.u32 $0x8000, s14  }
0x192: {  	[tilespmem:s15+$0x0] =	vst.add.f32.msk $0xffff, v0  }
0x193: {  	v0 =	vld [tilespmem:s14+$0x10];
	_ =	sdelay $0x3  }
0x194: {  	s30 =	sor.u32 $0x8010, s14  }
0x195: {  	[tilespmem:s30+$0x0] =	vst.add.f32.msk $0xffff, v0  }
0x196: {  	v0 =	vld [tilespmem:s14+$0x20];
	_ =	sdelay $0x3  }
0x197: {  	s31 =	sor.u32 $0x8020, s14  }
0x198: {  	[tilespmem:s31+$0x0] =	vst.add.f32.msk $0xffff, v0  }
0x199: {  	v0 =	vld [tilespmem:s14+$0x30];
	_ =	sdelay $0x3  }
0x19a: {  	s16 =	sor.u32 $0x8030, s14  }
0x19b: {  	[tilespmem:s16+$0x0] =	vst.add.f32.msk $0xffff, v0  }
0x19c: {  	v0 =	vld [tilespmem:s14+$0x40];
	_ =	sdelay $0x3  }
0x19d: {  	s17 =	sor.u32 $0x8040, s14  }
0x19e: {  	[tilespmem:s17+$0x0] =	vst.add.f32.msk $0xffff, v0  }
0x19f: {  	v0 =	vld [tilespmem:s14+$0x50];
	_ =	sdelay $0x3  }
0x1a0: {  	s18 =	sor.u32 $0x8050, s14  }
0x1a1: {  	[tilespmem:s18+$0x0] =	vst.add.f32.msk $0xffff, v0  }
0x1a2: {  	v0 =	vld [tilespmem:s14+$0x60];
	_ =	sdelay $0x3  }
0x1a3: {  	s19 =	sor.u32 $0x8060, s14  }
0x1a4: {  	[tilespmem:s19+$0x0] =	vst.add.f32.msk $0xffff, v0  }
0x1a5: {  	v0 =	vld [tilespmem:s14+$0x70];
	_ =	sdelay $0x3  }
0x1a6: {  	s20 =	sor.u32 $0x8070, s14  }
0x1a7: {  	[tilespmem:s20+$0x0] =	vst.add.f32.msk $0xffff, v0  }
0x1a8: {  	v0 =	vld [tilespmem:s14+$0x400];
	_ =	sdelay $0x3  }
0x1a9: {  	s21 =	sor.u32 $0x8400, s14  }
0x1aa: {  	[tilespmem:s21+$0x0] =	vst.add.f32.msk $0xffff, v0  }
0x1ab: {  	v0 =	vld [tilespmem:s14+$0x410];
	_ =	sdelay $0x3  }
0x1ac: {  	s22 =	sor.u32 $0x8410, s14  }
0x1ad: {  	[tilespmem:s22+$0x0] =	vst.add.f32.msk $0xffff, v0  }
0x1ae: {  	v0 =	vld [tilespmem:s14+$0x420];
	_ =	sdelay $0x3  }
0x1af: {  	s23 =	sor.u32 $0x8420, s14  }
0x1b0: {  	[tilespmem:s23+$0x0] =	vst.add.f32.msk $0xffff, v0  }
0x1b1: {  	v0 =	vld [tilespmem:s14+$0x430];
	_ =	sdelay $0x3  }
0x1b2: {  	s24 =	sor.u32 $0x8430, s14  }
0x1b3: {  	[tilespmem:s24+$0x0] =	vst.add.f32.msk $0xffff, v0  }
0x1b4: {  	v0 =	vld [tilespmem:s14+$0x440];
	_ =	sdelay $0x3  }
0x1b5: {  	s25 =	sor.u32 $0x8440, s14  }
0x1b6: {  	[tilespmem:s25+$0x0] =	vst.add.f32.msk $0xffff, v0  }
0x1b7: {  	v0 =	vld [tilespmem:s14+$0x450];
	_ =	sdelay $0x3  }
0x1b8: {  	s26 =	sor.u32 $0x8450, s14  }
0x1b9: {  	[tilespmem:s26+$0x0] =	vst.add.f32.msk $0xffff, v0  }
0x1ba: {  	v0 =	vld [tilespmem:s14+$0x460];
	_ =	sdelay $0x3  }
0x1bb: {  	s28 =	sor.u32 $0x8460, s14  }
0x1bc: {  	[tilespmem:s28+$0x0] =	vst.add.f32.msk $0xffff, v0  }
0x1bd: {  	v0 =	vld [tilespmem:s14+$0x470];
	_ =	sdelay $0x3  }
0x1be: {  	s29 =	sor.u32 $0x8470, s14  }
0x1bf: {  	[tilespmem:s29+$0x0] =	vst.add.f32.msk $0xffff, v0  }
0x1c0: {  	v0 =	vld [tilespmem:s14+$0x800];
	_ =	sdelay $0x3  }
0x1c1: {  	s30 =	sor.u32 $0x8800, s14  }
0x1c2: {  	[tilespmem:s30+$0x0] =	vst.add.f32.msk $0xffff, v0  }
0x1c3: {  	v0 =	vld [tilespmem:s14+$0x810];
	_ =	sdelay $0x3  }
0x1c4: {  	s31 =	sor.u32 $0x8810, s14  }
0x1c5: {  	[tilespmem:s31+$0x0] =	vst.add.f32.msk $0xffff, v0  }
0x1c6: {  	v0 =	vld [tilespmem:s14+$0x820];
	_ =	sdelay $0x3  }
0x1c7: {  	s16 =	sor.u32 $0x8820, s14  }
0x1c8: {  	[tilespmem:s16+$0x0] =	vst.add.f32.msk $0xffff, v0  }
0x1c9: {  	v0 =	vld [tilespmem:s14+$0x830];
	_ =	sdelay $0x3  }
0x1ca: {  	s17 =	sor.u32 $0x8830, s14  }
0x1cb: {  	[tilespmem:s17+$0x0] =	vst.add.f32.msk $0xffff, v0  }
0x1cc: {  	v0 =	vld [tilespmem:s14+$0x840];
	_ =	sdelay $0x3  }
0x1cd: {  	s18 =	sor.u32 $0x8840, s14  }
0x1ce: {  	[tilespmem:s18+$0x0] =	vst.add.f32.msk $0xffff, v0  }
0x1cf: {  	v0 =	vld [tilespmem:s14+$0x850];
	_ =	sdelay $0x3  }
0x1d0: {  	s19 =	sor.u32 $0x8850, s14  }
0x1d1: {  	[tilespmem:s19+$0x0] =	vst.add.f32.msk $0xffff, v0  }
0x1d2: {  	v0 =	vld [tilespmem:s14+$0x860];
	_ =	sdelay $0x3  }
0x1d3: {  	s20 =	sor.u32 $0x8860, s14  }
0x1d4: {  	[tilespmem:s20+$0x0] =	vst.add.f32.msk $0xffff, v0  }
0x1d5: {  	v0 =	vld [tilespmem:s14+$0x870];
	_ =	sdelay $0x3  }
0x1d6: {  	s21 =	sor.u32 $0x8870, s14  }
0x1d7: {  	[tilespmem:s21+$0x0] =	vst.add.f32.msk $0xffff, v0  }
0x1d8: {  	v0 =	vld [tilespmem:s14+$0xC00];
	_ =	sdelay $0x3  }
0x1d9: {  	s22 =	sor.u32 $0x8C00, s14  }
0x1da: {  	[tilespmem:s22+$0x0] =	vst.add.f32.msk $0xffff, v0  }
0x1db: {  	v0 =	vld [tilespmem:s14+$0xC10];
	_ =	sdelay $0x3  }
0x1dc: {  	s23 =	sor.u32 $0x8C10, s14  }
0x1dd: {  	[tilespmem:s23+$0x0] =	vst.add.f32.msk $0xffff, v0  }
0x1de: {  	v0 =	vld [tilespmem:s14+$0xC20];
	_ =	sdelay $0x3  }
0x1df: {  	s24 =	sor.u32 $0x8C20, s14  }
0x1e0: {  	[tilespmem:s24+$0x0] =	vst.add.f32.msk $0xffff, v0  }
0x1e1: {  	v0 =	vld [tilespmem:s14+$0xC30];
	_ =	sdelay $0x3  }
0x1e2: {  	s25 =	sor.u32 $0x8C30, s14  }
0x1e3: {  	[tilespmem:s25+$0x0] =	vst.add.f32.msk $0xffff, v0  }
0x1e4: {  	v0 =	vld [tilespmem:s14+$0xC40];
	_ =	sdelay $0x3  }
0x1e5: {  	s26 =	sor.u32 $0x8C40, s14  }
0x1e6: {  	[tilespmem:s26+$0x0] =	vst.add.f32.msk $0xffff, v0  }
0x1e7: {  	v0 =	vld [tilespmem:s14+$0xC50];
	_ =	sdelay $0x3  }
0x1e8: {  	s28 =	sor.u32 $0x8C50, s14  }
0x1e9: {  	[tilespmem:s28+$0x0] =	vst.add.f32.msk $0xffff, v0  }
0x1ea: {  	v0 =	vld [tilespmem:s14+$0xC60];
	_ =	sdelay $0x3  }
0x1eb: {  	s29 =	sor.u32 $0x8C60, s14  }
0x1ec: {  	[tilespmem:s29+$0x0] =	vst.add.f32.msk $0xffff, v0  }
0x1ed: {  	v0 =	vld [tilespmem:s14+$0xC70];
	_ =	sdelay $0x3  }
0x1ee: {  	s30 =	sor.u32 $0x8C70, s14  }
0x1ef: {  	[tilespmem:s30+$0x0] =	vst.add.f32.msk $0xffff, v0  }
0x1f0: {  	v0 =	vld [tilespmem:s14+$0x1000];
	_ =	sdelay $0x3  }
0x1f1: {  	s31 =	sor.u32 $0x9000, s14  }
0x1f2: {  	[tilespmem:s31+$0x0] =	vst.add.f32.msk $0xffff, v0  }
0x1f3: {  	v0 =	vld [tilespmem:s14+$0x1010];
	_ =	sdelay $0x3  }
0x1f4: {  	s16 =	sor.u32 $0x9010, s14  }
0x1f5: {  	[tilespmem:s16+$0x0] =	vst.add.f32.msk $0xffff, v0  }
0x1f6: {  	v0 =	vld [tilespmem:s14+$0x1020];
	_ =	sdelay $0x3  }
0x1f7: {  	s17 =	sor.u32 $0x9020, s14  }
0x1f8: {  	[tilespmem:s17+$0x0] =	vst.add.f32.msk $0xffff, v0  }
0x1f9: {  	v0 =	vld [tilespmem:s14+$0x1030];
	_ =	sdelay $0x3  }
0x1fa: {  	s18 =	sor.u32 $0x9030, s14  }
0x1fb: {  	[tilespmem:s18+$0x0] =	vst.add.f32.msk $0xffff, v0  }
0x1fc: {  	v0 =	vld [tilespmem:s14+$0x1040];
	_ =	sdelay $0x3  }
0x1fd: {  	s19 =	sor.u32 $0x9040, s14  }
0x1fe: {  	[tilespmem:s19+$0x0] =	vst.add.f32.msk $0xffff, v0  }
0x1ff: {  	v0 =	vld [tilespmem:s14+$0x1050];
	_ =	sdelay $0x3  }
0x200: {  	s20 =	sor.u32 $0x9050, s14  }
0x201: {  	[tilespmem:s20+$0x0] =	vst.add.f32.msk $0xffff, v0  }
0x202: {  	v0 =	vld [tilespmem:s14+$0x1060];
	_ =	sdelay $0x3  }
0x203: {  	s21 =	sor.u32 $0x9060, s14  }
0x204: {  	[tilespmem:s21+$0x0] =	vst.add.f32.msk $0xffff, v0  }
0x205: {  	v0 =	vld [tilespmem:s14+$0x1070];
	_ =	sdelay $0x3  }
0x206: {  	s22 =	sor.u32 $0x9070, s14  }
0x207: {  	[tilespmem:s22+$0x0] =	vst.add.f32.msk $0xffff, v0  }
0x208: {  	v0 =	vld [tilespmem:s14+$0x1400];
	_ =	sdelay $0x3  }
0x209: {  	s23 =	sor.u32 $0x9400, s14  }
0x20a: {  	[tilespmem:s23+$0x0] =	vst.add.f32.msk $0xffff, v0  }
0x20b: {  	v0 =	vld [tilespmem:s14+$0x1410];
	_ =	sdelay $0x3  }
0x20c: {  	s24 =	sor.u32 $0x9410, s14  }
0x20d: {  	[tilespmem:s24+$0x0] =	vst.add.f32.msk $0xffff, v0  }
0x20e: {  	v0 =	vld [tilespmem:s14+$0x1420];
	_ =	sdelay $0x3  }
0x20f: {  	s25 =	sor.u32 $0x9420, s14  }
0x210: {  	[tilespmem:s25+$0x0] =	vst.add.f32.msk $0xffff, v0  }
0x211: {  	v0 =	vld [tilespmem:s14+$0x1430];
	_ =	sdelay $0x3  }
0x212: {  	s26 =	sor.u32 $0x9430, s14  }
0x213: {  	[tilespmem:s26+$0x0] =	vst.add.f32.msk $0xffff, v0  }
0x214: {  	v0 =	vld [tilespmem:s14+$0x1440];
	_ =	sdelay $0x3  }
0x215: {  	s28 =	sor.u32 $0x9440, s14  }
0x216: {  	[tilespmem:s28+$0x0] =	vst.add.f32.msk $0xffff, v0  }
0x217: {  	v0 =	vld [tilespmem:s14+$0x1450];
	_ =	sdelay $0x3  }
0x218: {  	s29 =	sor.u32 $0x9450, s14  }
0x219: {  	[tilespmem:s29+$0x0] =	vst.add.f32.msk $0xffff, v0  }
0x21a: {  	v0 =	vld [tilespmem:s14+$0x1460];
	_ =	sdelay $0x3  }
0x21b: {  	s30 =	sor.u32 $0x9460, s14  }
0x21c: {  	[tilespmem:s30+$0x0] =	vst.add.f32.msk $0xffff, v0  }
0x21d: {  	v0 =	vld [tilespmem:s14+$0x1470];
	_ =	sdelay $0x3  }
0x21e: {  	s31 =	sor.u32 $0x9470, s14  }
0x21f: {  	[tilespmem:s31+$0x0] =	vst.add.f32.msk $0xffff, v0  }
0x220: {  	v0 =	vld [tilespmem:s14+$0x1800];
	_ =	sdelay $0x3  }
0x221: {  	s16 =	sor.u32 $0x9800, s14  }
0x222: {  	[tilespmem:s16+$0x0] =	vst.add.f32.msk $0xffff, v0  }
0x223: {  	v0 =	vld [tilespmem:s14+$0x1810];
	_ =	sdelay $0x3  }
0x224: {  	s17 =	sor.u32 $0x9810, s14  }
0x225: {  	[tilespmem:s17+$0x0] =	vst.add.f32.msk $0xffff, v0  }
0x226: {  	v0 =	vld [tilespmem:s14+$0x1820];
	_ =	sdelay $0x3  }
0x227: {  	s18 =	sor.u32 $0x9820, s14  }
0x228: {  	[tilespmem:s18+$0x0] =	vst.add.f32.msk $0xffff, v0  }
0x229: {  	v0 =	vld [tilespmem:s14+$0x1830];
	_ =	sdelay $0x3  }
0x22a: {  	s19 =	sor.u32 $0x9830, s14  }
0x22b: {  	[tilespmem:s19+$0x0] =	vst.add.f32.msk $0xffff, v0  }
0x22c: {  	v0 =	vld [tilespmem:s14+$0x1840];
	_ =	sdelay $0x3  }
0x22d: {  	s20 =	sor.u32 $0x9840, s14  }
0x22e: {  	[tilespmem:s20+$0x0] =	vst.add.f32.msk $0xffff, v0  }
0x22f: {  	v0 =	vld [tilespmem:s14+$0x1850];
	_ =	sdelay $0x3  }
0x230: {  	s21 =	sor.u32 $0x9850, s14  }
0x231: {  	[tilespmem:s21+$0x0] =	vst.add.f32.msk $0xffff, v0  }
0x232: {  	v0 =	vld [tilespmem:s14+$0x1860];
	_ =	sdelay $0x3  }
0x233: {  	s22 =	sor.u32 $0x9860, s14  }
0x234: {  	[tilespmem:s22+$0x0] =	vst.add.f32.msk $0xffff, v0  }
0x235: {  	v0 =	vld [tilespmem:s14+$0x1870]  }
0x236: {  	s12 =	sadd.s32 $0x1, s12  }
0x237: {  	s12 =	sand.u32 $0x7, s12  }
0x238: {  	s13 =	sadd.s32 $0x400, s13;
	s12 =	sshll.u32 s12, $0x7  }
0x239: {  	s12 =	sadd.s32 s12, s13;
	s23 =	sor.u32 $0x9870, s14  }
0x23a: {  	s24 =	sor.u32 $0x1C00, s12;
	[tilespmem:s23+$0x0] =	vst.add.f32.msk $0xffff, v0  }
0x23b: {  	v0 =	vld [tilespmem:s24+$0x0];
	_ =	sdelay $0x4  }
0x23c: {  	s25 =	sor.u32 $0x1C10, s12;
	[tilespmem:s24+$0x8000] =	vst.add.f32.msk $0xffff, v0  }
0x23d: {  	v0 =	vld [tilespmem:s25+$0x0];
	_ =	sdelay $0x4  }
0x23e: {  	s26 =	sor.u32 $0x1C20, s12;
	[tilespmem:s25+$0x8000] =	vst.add.f32.msk $0xffff, v0  }
0x23f: {  	v0 =	vld [tilespmem:s26+$0x0];
	_ =	sdelay $0x4  }
0x240: {  	s28 =	sor.u32 $0x1C30, s12;
	[tilespmem:s26+$0x8000] =	vst.add.f32.msk $0xffff, v0  }
0x241: {  	v0 =	vld [tilespmem:s28+$0x0];
	_ =	sdelay $0x4  }
0x242: {  	s29 =	sor.u32 $0x1C40, s12;
	[tilespmem:s28+$0x8000] =	vst.add.f32.msk $0xffff, v0  }
0x243: {  	v0 =	vld [tilespmem:s29+$0x0];
	_ =	sdelay $0x4  }
0x244: {  	s30 =	sor.u32 $0x1C50, s12;
	[tilespmem:s29+$0x8000] =	vst.add.f32.msk $0xffff, v0  }
0x245: {  	v0 =	vld [tilespmem:s30+$0x0];
	_ =	sdelay $0x4  }
0x246: {  	s31 =	sor.u32 $0x1C60, s12;
	[tilespmem:s30+$0x8000] =	vst.add.f32.msk $0xffff, v0  }
0x247: {  	v0 =	vld [tilespmem:s31+$0x0];
	_ =	sdelay $0x4  }
0x248: {  	s12 =	sor.u32 $0x1C70, s12;
	[tilespmem:s31+$0x8000] =	vst.add.f32.msk $0xffff, v0  }
0x249: {  	v0 =	vld [tilespmem:s12+$0x0];
	_ =	sdelay $0x4  }
.Ltmp1:
0x24a: {  	s11 =	sadd.s32 s5, s11;
	[tilespmem:s12+$0x8000] =	vst.add.f32.msk $0xffff, v0;
	(pc) =	sbr.rel @p0 .LBB2_2-.Ltmp1, $4  }
0x24b: {  	[hbm4b:s11+s2] =	stream.linear.scatter [tilespmem:s9], [sflag:$0x1], $0x8000, $0x38;
	[tilespmem:$0x10000] =	vst v63  }
0x24c: {  	_ =	swait.ge [sflag:s8], $0x8000  }
0x24d: {  	[sflag:s8] =	ssyncset.done $0x0  }
0x24e: {  	p1 =	por $0x0, $0x0;
	s11 =	simm.s32 $0x1000;
	[sflag:s8] =	ssyncadd.s32 $0xFFFF8000  }
0x24f: {  	s10 =	sadd.s32 $0x1, s10  }
0x250: {  	p0 =	sne.s32 s10, s7  }
.Ltmp2:
0x251: {  	_ = 	snop;
	(pc) =	sbr.rel @p0 .LBB2_1-.Ltmp2, $1  }
0x252: {  	_ =	sdelay $0x3  }
0x253: {  	_ =	sfence.sel $0x180000  }
0x254: {  	[bflag:$0x0] =	sbarrier.arrive $0xFFFF  }
0x255: {  	p0 =	sne.s32 s3, $0x0;
	_ =	strace $0x90000047  }
0x256: {  	s0 =	sadd.s32 @!p0 $0x100000, s0;
	[bflag:$0x2] =	sbarrier.arrive $0xFFFF  }
0x257: {  	[sflag:s0] =	ssyncadd.tile.s32 @!p0 $0x1;
	_ =	shalt  }
.Lfunc_end2:
_tile_overlayer_lowered:
.L_overlay_start_2:
0x258: {  	(tag) =	ssettag $0x2  }
0x259: {  	s0 =	rddreg [dreg:$0x0];
	s2 =	stileid.u32  }
0x25a: {  	s1 =	rddreg [dreg:$0x1];
	p0 =	sne.s32 s2, $0x0  }
0x25b: {  	s3 =	rddreg [dreg:$0x2];
	[bflag:$0x3] =	sbarrier.arrive $0xFFFF;
	s2 =	simm.s32 @!p0 $0x1C01  }
0x25c: {  	[timem:s3], [sflag:s2] =	dma.local @!p0 [hbm:s0], s1  }
0x25d: {  	s0 =	simm.s32 @!p0 $0x1  }
0x25e: {  	_ =	swait.ge @!p0 [sflag:s0], s1  }
0x25f: {  	s1 =	ssub.s32 @!p0 $0x0, s1;
	[sflag:s0] =	ssyncset.done @!p0 $0x0  }
0x260: {  	[sflag:s0] =	ssyncadd.s32 @!p0 s1  }
0x261: {  	[bflag:$0x3] =	sbarrier.arrive $0xFFFF  }
0x262: {  	_ =	shalt  }

</sc_bundles>
